<compile_context>
chip_gen: v7x
topology: tpu7x:2x2x1
jax: 0.10.2.dev20260603
libtpu: 0.0.44.dev20260713+nightly
codegen_flags: <defaults>
</compile_context>

<pallas_src>
import functools

import jax
import jax.numpy as jnp
from jax import lax
from jax.experimental import pallas as pl
from jax.experimental.pallas import tpu as pltpu
from jax.experimental.pallas import tpu_sc as plsc

L = 200
D = 64
B = 4096
V = 1000000
LANES = 16
NWIN = V // 128


def _make_call1():
    info = plsc.get_sparse_core_info()
    nc = info.num_cores
    nw = nc * info.num_subcores
    nj = (NWIN + nw - 1) // nw

    mesh = plsc.VectorSubcoreMesh(core_axis_name="c", subcore_axis_name="s")

    @functools.partial(
        pl.kernel,
        mesh=mesh,
        out_type=jax.ShapeDtypeStruct((V // 2, 128), jnp.float32),
        scratch_types=[
            pltpu.VMEM((2, D, 129), jnp.float32),
            pltpu.VMEM((2, D, 128), jnp.float32),
            pltpu.SemaphoreType.DMA,
            pltpu.SemaphoreType.DMA,
        ],
        compiler_params=pltpu.CompilerParams(
            use_tc_tiling_on_sc=True, needs_layout_passes=False),
    )
    def k(tokT_hbm, out_hbm, inw, outw, isem, osem):
        wid = lax.axis_index("s") * nc + lax.axis_index("c")

        rows_c = [lax.iota(jnp.int32, LANES) + fc * LANES for fc in range(4)]

        def cw_of(j):
            return wid + j * nw

        def issue_in(j, s):
            pltpu.async_copy(
                tokT_hbm.at[:, pl.ds(cw_of(j) * 128, 128)],
                inw.at[s, :, pl.ds(0, 128)], isem)

        def wait_in(j, s):
            pltpu.make_async_copy(
                tokT_hbm.at[:, pl.ds(cw_of(j) * 128, 128)],
                inw.at[s, :, pl.ds(0, 128)], isem).wait()

        def issue_out(j, s):
            pltpu.async_copy(
                outw.at[s], out_hbm.at[pl.ds(cw_of(j) * 64, 64)], osem)

        def wait_out(j, s):
            pltpu.make_async_copy(
                outw.at[s], out_hbm.at[pl.ds(cw_of(j) * 64, 64)], osem).wait()

        def transpose_window(s):
            def u_body(u, c):
                for half in range(2):
                    t = 2 * u + half
                    cols = jnp.broadcast_to(t.astype(jnp.int32), (LANES,))
                    for fc in range(4):
                        g = plsc.load_gather(inw.at[s], [rows_c[fc], cols])
                        outw[s, u, pl.ds(half * 64 + fc * LANES, LANES)] = g
                return c

            lax.fori_loop(0, D, u_body, 0)

        @pl.when(cw_of(0) < NWIN)
        def _():
            issue_in(0, 0)

        def j_body(j, c):
            s = lax.rem(j, 2)

            @pl.when((j >= 2) & (cw_of(j - 2) < NWIN))
            def _():
                wait_out(j - 2, s)

            @pl.when(cw_of(j) < NWIN)
            def _():
                @pl.when(cw_of(j + 1) < NWIN)
                def _():
                    issue_in(j + 1, 1 - s)
                wait_in(j, s)
                transpose_window(s)
                issue_out(j, s)

            return c

        lax.fori_loop(0, nj, j_body, 0)

        def drain(j, c):
            @pl.when(cw_of(j) < NWIN)
            def _():
                wait_out(j, lax.rem(j, 2))
            return c

        lax.fori_loop(nj - 2, nj, drain, 0)

    return k


def _make_call2():
    info = plsc.get_sparse_core_info()
    nc = info.num_cores
    nw = nc * info.num_subcores
    bpw = B // nw

    mesh = plsc.VectorSubcoreMesh(core_axis_name="c", subcore_axis_name="s")

    @functools.partial(
        pl.kernel,
        mesh=mesh,
        out_type=jax.ShapeDtypeStruct((L, 8, nw, 8, 128), jnp.float32),
        scratch_types=[
            pltpu.VMEM((bpw, 201), jnp.int32),
            pltpu.VMEM((L, bpw), jnp.int32),
            pltpu.VMEM((L, D), jnp.float32),
            pltpu.VMEM((2, bpw, D), jnp.float32),
            pltpu.VMEM((2, D, 129), jnp.float32),
            pltpu.SemaphoreType.DMA,
            pltpu.SemaphoreType.DMA,
        ],
        compiler_params=pltpu.CompilerParams(
            use_tc_tiling_on_sc=False, needs_layout_passes=False),
    )
    def k(idx_hbm, tok_hbm, pos_hbm, out_hbm, islab, idxT, pos_v, rows_v,
          obuf, gsem, osem):
        w = lax.axis_index("s") * nc + lax.axis_index("c")
        pltpu.sync_copy(pos_hbm, pos_v)
        pltpu.sync_copy(idx_hbm.at[pl.ds(w * bpw, bpw)],
                        islab.at[:, pl.ds(0, L)])

        rows_c = [lax.iota(jnp.int32, LANES) + bc * LANES for bc in range(8)]

        def tpose_idx(l, c):
            cols = jnp.broadcast_to(l.astype(jnp.int32), (LANES,))
            for bc in range(8):
                idxT[l, pl.ds(bc * LANES, LANES)] = plsc.load_gather(
                    islab, [rows_c[bc], cols])
            return c

        lax.fori_loop(0, L, tpose_idx, 0)

        def issue_gather(l, s):
            pltpu.async_copy(tok_hbm.at[idxT.at[l]], rows_v.at[s], gsem)

        def wait_gather(l, s):
            pltpu.make_async_copy(
                tok_hbm.at[idxT.at[l]], rows_v.at[s], gsem).wait()

        def issue_store(l, s):
            for fb in range(8):
                pltpu.async_copy(
                    obuf.at[s, pl.ds(fb * 8, 8), pl.ds(0, 128)],
                    out_hbm.at[l, fb, w], osem)

        def wait_store(l, s):
            for fb in range(8):
                pltpu.make_async_copy(
                    obuf.at[s, pl.ds(fb * 8, 8), pl.ds(0, 128)],
                    out_hbm.at[l, fb, w], osem).wait()

        frows = [lax.iota(jnp.int32, LANES) + fc * LANES for fc in range(4)]

        def transpose_add(l, s):
            pv = [pos_v[l, pl.ds(fc * LANES, LANES)] for fc in range(4)]

            def b_body(bi, c):
                cols = jnp.broadcast_to(bi.astype(jnp.int32), (LANES,))
                for fc in range(4):
                    v = rows_v[s, bi, pl.ds(fc * LANES, LANES)] + pv[fc]
                    plsc.store_scatter(obuf.at[s], [frows[fc], cols], v)
                return c

            lax.fori_loop(0, bpw, b_body, 0)

        issue_gather(0, 0)

        def l_body(l, c):
            s = lax.rem(l, 2)

            @pl.when(l + 1 < L)
            def _():
                issue_gather(l + 1, 1 - s)
            wait_gather(l, s)
            @pl.when(l >= 2)
            def _():
                wait_store(l - 2, s)
            transpose_add(l, s)
            issue_store(l, s)
            return c

        lax.fori_loop(0, L, l_body, 0)
        wait_store(L - 2, 0)
        wait_store(L - 1, 1)

    return k


_call1 = _make_call1()
_call2 = _make_call2()


@jax.jit
def kernel(inputs, token_table, position_table):
    tokT = jnp.swapaxes(token_table, 0, 1)
    d = _call1(tokT)
    tail = token_table[NWIN * 128:, :].reshape(32, 128)
    d = lax.dynamic_update_slice(d, tail, (NWIN * 64, 0))
    tok_dense = d.reshape(V, D)
    a5 = _call2(inputs.astype(jnp.int32), tok_dense, position_table)
    out = a5.transpose(2, 4, 0, 1, 3)
    return out.reshape(B, L, D)

# --- scband reference (transcript-rebuilt; emitter-appended) ---
"""Pipeline reference for scband-positional-embedding-31997506356002 (READ-ONLY COPY).

The authoritative reference and input builder live on the scoring server;
editing this copy changes nothing except your own understanding.
"""

import jax, jax.numpy as jnp
import numpy as np

VOCAB = 1000000
SEQ_LEN = 200
DIM = 64
BATCH = 4096

def setup_inputs(seed: int = 0) -> dict:
    key = jax.random.key(seed)
    k1, k2, k3 = jax.random.split(key, 3)
    inputs = jax.random.randint(k1, (BATCH, SEQ_LEN), 0, VOCAB, dtype=jnp.int64 if jax.config.jax_enable_x64 else jnp.int32)
    token_table = jax.random.normal(k2, (VOCAB, DIM), dtype=jnp.float32) * 0.02
    position_table = jax.random.normal(k3, (SEQ_LEN, DIM), dtype=jnp.float32) * 0.02
    return {"inputs": inputs, "token_table": token_table, "position_table": position_table}

def reference(inputs, token_table, position_table):
    # PositionalEmbedding.call: token embedding lookup + position embedding broadcast-add
    length = inputs.shape[-1]
    positions = jnp.arange(0, length)
    embedded_tokens = jnp.take(token_table, inputs, axis=0)          # [B, L, D]
    embedded_positions = jnp.take(position_table, positions, axis=0)  # [L, D]
    return embedded_tokens + embedded_positions[None, :, :]

if __name__ == "__main__":
    import jax
    _d = setup_inputs()
    print(jax.jit(kernel)(*tuple(_d.values())))

</pallas_src>

<mosaic_0001>
#map = affine_map<(d0, d1) -> (0, 0)>
module attributes {stable_mosaic.version = 14 : i64} {
  func.func @k(%arg0: i32, %arg1: i32, %arg2: memref<64x1000000xf32, #tpu.memory_space<hbm>>, %arg3: memref<500000x128xf32, #tpu.memory_space<hbm>>, %arg4: memref<2x64x129xf32, #tpu.memory_space<vmem>>, %arg5: memref<2x64x128xf32, #tpu.memory_space<vmem>>, %arg6: memref<!tpu.dma_semaphore, #tpu.memory_space<semaphore_mem>>, %arg7: memref<!tpu.dma_semaphore, #tpu.memory_space<semaphore_mem>>) attributes {dimension_semantics = [#tpu.dimension_semantics<core_parallel>, #tpu.dimension_semantics<subcore_parallel>], iteration_bounds = array<i64: 2, 16>, scalar_prefetch = 0 : i64, scratch_operands = 4 : i64, tpu.core_type = #tpu.core_type<sc_vector_subcore>, window_params = [{transform_indices = #map}, {transform_indices = #map}]} {
    %mul3A = arith.constant 2 : i32
    %mul3A_0 = arith.muli %arg1, %mul3A : i32
    %add3A = arith.addi %mul3A_0, %arg0 : i32
    %iota3A = tpu.iota {dimensions = array<i32: 0>} : vector<16xi32>
    %add3A_1 = arith.constant 0 : i32
    %add3A_2 = vector.broadcast %add3A_1 : i32 to vector<16xi32>
    %add3A_3 = arith.addi %iota3A, %add3A_2 : vector<16xi32>
    %iota3A_4 = tpu.iota {dimensions = array<i32: 0>} : vector<16xi32>
    %add3A_5 = arith.constant 16 : i32
    %add3A_6 = vector.broadcast %add3A_5 : i32 to vector<16xi32>
    %add3A_7 = arith.addi %iota3A_4, %add3A_6 : vector<16xi32>
    %iota3A_8 = tpu.iota {dimensions = array<i32: 0>} : vector<16xi32>
    %add3A_9 = arith.constant 32 : i32
    %add3A_10 = vector.broadcast %add3A_9 : i32 to vector<16xi32>
    %add3A_11 = arith.addi %iota3A_8, %add3A_10 : vector<16xi32>
    %iota3A_12 = tpu.iota {dimensions = array<i32: 0>} : vector<16xi32>
    %add3A_13 = arith.constant 48 : i32
    %add3A_14 = vector.broadcast %add3A_13 : i32 to vector<16xi32>
    %add3A_15 = arith.addi %iota3A_12, %add3A_14 : vector<16xi32>
    %add3A_16 = arith.constant 0 : i32
    %add3A_17 = arith.addi %add3A, %add3A_16 : i32
    %lt3A = arith.constant 7812 : i32
    %lt3A_18 = arith.cmpi slt, %add3A_17, %lt3A : i32
    %convert_element_type3A = arith.extui %lt3A_18 : i1 to i32
    %cond3A = arith.constant 0 : i32
    %cond3A_19 = arith.cmpi ne, %convert_element_type3A, %cond3A : i32
    scf.if %cond3A_19 {
      %add3A_31 = arith.constant 0 : i32
      %add3A_32 = arith.addi %add3A, %add3A_31 : i32
      %mul3A_33 = arith.constant 128 : i32
      %mul3A_34 = arith.muli %add3A_32, %mul3A_33 : i32
      %dma_start3A = arith.constant 0 : i32
      %dma_start3A_35 = arith.constant 0 : i32
      %dma_start3A_36 = arith.constant 0 : i32
      %dma_start3A_37 = tpu.memref_slice %arg4[%dma_start3A, %dma_start3A_35, %dma_start3A_36] : memref<2x64x129xf32, #tpu.memory_space<vmem>> -> memref<1x64x128xf32, #tpu.memory_space<vmem>>
      %dma_start3A_38 = tpu.memref_squeeze %dma_start3A_37 : memref<1x64x128xf32, #tpu.memory_space<vmem>> -> memref<64x128xf32, #tpu.memory_space<vmem>>
      %dma_start3A_39 = arith.constant 0 : i32
      %dma_start3A_40 = tpu.memref_slice %arg2[%dma_start3A_39, %mul3A_34] : memref<64x1000000xf32, #tpu.memory_space<hbm>> -> memref<64x128xf32, #tpu.memory_space<hbm>>
      %dma_start3A_41 = arith.constant 0 : i32
      %dma_start3A_42 = arith.constant 0 : i32
      %dma_start3A_43 = tpu.memref_slice %arg4[%dma_start3A, %dma_start3A_41, %dma_start3A_42] : memref<2x64x129xf32, #tpu.memory_space<vmem>> -> memref<1x64x128xf32, #tpu.memory_space<vmem>>
      %dma_start3A_44 = tpu.memref_squeeze %dma_start3A_43 : memref<1x64x128xf32, #tpu.memory_space<vmem>> -> memref<64x128xf32, #tpu.memory_space<vmem>>
      %dma_start3A_45 = arith.constant 0 : i32
      %dma_start3A_46 = tpu.memref_slice %arg2[%dma_start3A_45, %mul3A_34] : memref<64x1000000xf32, #tpu.memory_space<hbm>> -> memref<64x128xf32, #tpu.memory_space<hbm>>
      tpu.enqueue_dma source(%dma_start3A_46 : memref<64x128xf32, #tpu.memory_space<hbm>>) target(%dma_start3A_44 : memref<64x128xf32, #tpu.memory_space<vmem>>) target_semaphore(%arg6 : memref<!tpu.dma_semaphore, #tpu.memory_space<semaphore_mem>>)
    } else {
    }
    %scan3A = arith.constant 0 : i32
    %scan3A_20 = arith.constant 0 : i32
    %scan3A_21 = arith.constant 245 : i32
    %scan3A_22 = arith.addi %scan3A_20, %scan3A_21 : i32
    %scan3A_23 = arith.constant 1 : i32
    scf.for %scan3A_31 = %scan3A_20 to %scan3A_22 step %scan3A_23  : i32 {
      %rem3A = arith.constant 2 : i32
      %rem3A_32 = arith.remsi %scan3A_31, %rem3A : i32
      %ge3A = arith.constant 2 : i32
      %ge3A_33 = arith.cmpi sge, %scan3A_31, %ge3A : i32
      %sub3A = arith.constant 2 : i32
      %sub3A_34 = arith.subi %scan3A_31, %sub3A : i32
      %mul3A_35 = arith.constant 32 : i32
      %mul3A_36 = arith.muli %sub3A_34, %mul3A_35 : i32
      %add3A_37 = arith.addi %add3A, %mul3A_36 : i32
      %lt3A_38 = arith.constant 7812 : i32
      %lt3A_39 = arith.cmpi slt, %add3A_37, %lt3A_38 : i32
      %and3A = arith.andi %ge3A_33, %lt3A_39 : i1
      %convert_element_type3A_40 = arith.extui %and3A : i1 to i32
      %cond3A_41 = arith.constant 0 : i32
      %cond3A_42 = arith.cmpi ne, %convert_element_type3A_40, %cond3A_41 : i32
      scf.if %cond3A_42 {
        %sub3A_51 = arith.constant 2 : i32
        %sub3A_52 = arith.subi %scan3A_31, %sub3A_51 : i32
        %mul3A_53 = arith.constant 32 : i32
        %mul3A_54 = arith.muli %sub3A_52, %mul3A_53 : i32
        %add3A_55 = arith.addi %add3A, %mul3A_54 : i32
        %mul3A_56 = arith.constant 64 : i32
        %mul3A_57 = arith.muli %add3A_55, %mul3A_56 : i32
        %dma_wait3A = arith.constant 0 : i32
        %dma_wait3A_58 = arith.constant 0 : i32
        %dma_wait3A_59 = tpu.memref_slice %arg5[%rem3A_32, %dma_wait3A, %dma_wait3A_58] : memref<2x64x128xf32, #tpu.memory_space<vmem>> -> memref<1x64x128xf32, #tpu.memory_space<vmem>>
        %dma_wait3A_60 = tpu.memref_squeeze %dma_wait3A_59 : memref<1x64x128xf32, #tpu.memory_space<vmem>> -> memref<64x128xf32, #tpu.memory_space<vmem>>
        %dma_wait3A_61 = arith.constant 0 : i32
        %dma_wait3A_62 = tpu.memref_slice %arg3[%mul3A_57, %dma_wait3A_61] : memref<500000x128xf32, #tpu.memory_space<hbm>> -> memref<64x128xf32, #tpu.memory_space<hbm>>
        %dma_wait3A_63 = arith.constant 0 : i32
        %dma_wait3A_64 = tpu.memref_slice %arg3[%mul3A_57, %dma_wait3A_63] : memref<500000x128xf32, #tpu.memory_space<hbm>> -> memref<64x128xf32, #tpu.memory_space<hbm>>
        %dma_wait3A_65 = arith.constant 0 : i32
        %dma_wait3A_66 = arith.constant 0 : i32
        %dma_wait3A_67 = tpu.memref_slice %arg5[%rem3A_32, %dma_wait3A_65, %dma_wait3A_66] : memref<2x64x128xf32, #tpu.memory_space<vmem>> -> memref<1x64x128xf32, #tpu.memory_space<vmem>>
        %dma_wait3A_68 = tpu.memref_squeeze %dma_wait3A_67 : memref<1x64x128xf32, #tpu.memory_space<vmem>> -> memref<64x128xf32, #tpu.memory_space<vmem>>
        tpu.wait_dma2 semaphore(%arg7 : memref<!tpu.dma_semaphore, #tpu.memory_space<semaphore_mem>>) src(%dma_wait3A_68 : memref<64x128xf32, #tpu.memory_space<vmem>>) dst(%dma_wait3A_64 : memref<64x128xf32, #tpu.memory_space<hbm>>)
      } else {
      }
      %mul3A_43 = arith.constant 32 : i32
      %mul3A_44 = arith.muli %scan3A_31, %mul3A_43 : i32
      %add3A_45 = arith.addi %add3A, %mul3A_44 : i32
      %lt3A_46 = arith.constant 7812 : i32
      %lt3A_47 = arith.cmpi slt, %add3A_45, %lt3A_46 : i32
      %convert_element_type3A_48 = arith.extui %lt3A_47 : i1 to i32
      %cond3A_49 = arith.constant 0 : i32
      %cond3A_50 = arith.cmpi ne, %convert_element_type3A_48, %cond3A_49 : i32
      scf.if %cond3A_50 {
        %add3A_51 = arith.constant 1 : i32
        %add3A_52 = arith.addi %scan3A_31, %add3A_51 : i32
        %mul3A_53 = arith.constant 32 : i32
        %mul3A_54 = arith.muli %add3A_52, %mul3A_53 : i32
        %add3A_55 = arith.addi %add3A, %mul3A_54 : i32
        %lt3A_56 = arith.constant 7812 : i32
        %lt3A_57 = arith.cmpi slt, %add3A_55, %lt3A_56 : i32
        %convert_element_type3A_58 = arith.extui %lt3A_57 : i1 to i32
        %cond3A_59 = arith.constant 0 : i32
        %cond3A_60 = arith.cmpi ne, %convert_element_type3A_58, %cond3A_59 : i32
        scf.if %cond3A_60 {
          %add3A_99 = arith.constant 1 : i32
          %add3A_100 = arith.addi %scan3A_31, %add3A_99 : i32
          %sub3A_101 = arith.constant 1 : i32
          %sub3A_102 = arith.subi %sub3A_101, %rem3A_32 : i32
          %mul3A_103 = arith.constant 32 : i32
          %mul3A_104 = arith.muli %add3A_100, %mul3A_103 : i32
          %add3A_105 = arith.addi %add3A, %mul3A_104 : i32
          %mul3A_106 = arith.constant 128 : i32
          %mul3A_107 = arith.muli %add3A_105, %mul3A_106 : i32
          %dma_start3A_108 = arith.constant 0 : i32
          %dma_start3A_109 = arith.constant 0 : i32
          %dma_start3A_110 = tpu.memref_slice %arg4[%sub3A_102, %dma_start3A_108, %dma_start3A_109] : memref<2x64x129xf32, #tpu.memory_space<vmem>> -> memref<1x64x128xf32, #tpu.memory_space<vmem>>
          %dma_start3A_111 = tpu.memref_squeeze %dma_start3A_110 : memref<1x64x128xf32, #tpu.memory_space<vmem>> -> memref<64x128xf32, #tpu.memory_space<vmem>>
          %dma_start3A_112 = arith.constant 0 : i32
          %dma_start3A_113 = tpu.memref_slice %arg2[%dma_start3A_112, %mul3A_107] : memref<64x1000000xf32, #tpu.memory_space<hbm>> -> memref<64x128xf32, #tpu.memory_space<hbm>>
          %dma_start3A_114 = arith.constant 0 : i32
          %dma_start3A_115 = arith.constant 0 : i32
          %dma_start3A_116 = tpu.memref_slice %arg4[%sub3A_102, %dma_start3A_114, %dma_start3A_115] : memref<2x64x129xf32, #tpu.memory_space<vmem>> -> memref<1x64x128xf32, #tpu.memory_space<vmem>>
          %dma_start3A_117 = tpu.memref_squeeze %dma_start3A_116 : memref<1x64x128xf32, #tpu.memory_space<vmem>> -> memref<64x128xf32, #tpu.memory_space<vmem>>
          %dma_start3A_118 = arith.constant 0 : i32
          %dma_start3A_119 = tpu.memref_slice %arg2[%dma_start3A_118, %mul3A_107] : memref<64x1000000xf32, #tpu.memory_space<hbm>> -> memref<64x128xf32, #tpu.memory_space<hbm>>
          tpu.enqueue_dma source(%dma_start3A_119 : memref<64x128xf32, #tpu.memory_space<hbm>>) target(%dma_start3A_117 : memref<64x128xf32, #tpu.memory_space<vmem>>) target_semaphore(%arg6 : memref<!tpu.dma_semaphore, #tpu.memory_space<semaphore_mem>>)
        } else {
        }
        %mul3A_61 = arith.constant 32 : i32
        %mul3A_62 = arith.muli %scan3A_31, %mul3A_61 : i32
        %add3A_63 = arith.addi %add3A, %mul3A_62 : i32
        %mul3A_64 = arith.constant 128 : i32
        %mul3A_65 = arith.muli %add3A_63, %mul3A_64 : i32
        %dma_wait3A = arith.constant 0 : i32
        %dma_wait3A_66 = arith.constant 0 : i32
        %dma_wait3A_67 = tpu.memref_slice %arg4[%rem3A_32, %dma_wait3A, %dma_wait3A_66] : memref<2x64x129xf32, #tpu.memory_space<vmem>> -> memref<1x64x128xf32, #tpu.memory_space<vmem>>
        %dma_wait3A_68 = tpu.memref_squeeze %dma_wait3A_67 : memref<1x64x128xf32, #tpu.memory_space<vmem>> -> memref<64x128xf32, #tpu.memory_space<vmem>>
        %dma_wait3A_69 = arith.constant 0 : i32
        %dma_wait3A_70 = tpu.memref_slice %arg2[%dma_wait3A_69, %mul3A_65] : memref<64x1000000xf32, #tpu.memory_space<hbm>> -> memref<64x128xf32, #tpu.memory_space<hbm>>
        %dma_wait3A_71 = arith.constant 0 : i32
        %dma_wait3A_72 = arith.constant 0 : i32
        %dma_wait3A_73 = tpu.memref_slice %arg4[%rem3A_32, %dma_wait3A_71, %dma_wait3A_72] : memref<2x64x129xf32, #tpu.memory_space<vmem>> -> memref<1x64x128xf32, #tpu.memory_space<vmem>>
        %dma_wait3A_74 = tpu.memref_squeeze %dma_wait3A_73 : memref<1x64x128xf32, #tpu.memory_space<vmem>> -> memref<64x128xf32, #tpu.memory_space<vmem>>
        %dma_wait3A_75 = arith.constant 0 : i32
        %dma_wait3A_76 = tpu.memref_slice %arg2[%dma_wait3A_75, %mul3A_65] : memref<64x1000000xf32, #tpu.memory_space<hbm>> -> memref<64x128xf32, #tpu.memory_space<hbm>>
        tpu.wait_dma2 semaphore(%arg6 : memref<!tpu.dma_semaphore, #tpu.memory_space<semaphore_mem>>) src(%dma_wait3A_76 : memref<64x128xf32, #tpu.memory_space<hbm>>) dst(%dma_wait3A_74 : memref<64x128xf32, #tpu.memory_space<vmem>>)
        %scan3A_77 = arith.constant 0 : i32
        %scan3A_78 = arith.constant 0 : i32
        %scan3A_79 = arith.constant 64 : i32
        %scan3A_80 = arith.addi %scan3A_78, %scan3A_79 : i32
        %scan3A_81 = arith.constant 1 : i32
        scf.for %scan3A_99 = %scan3A_78 to %scan3A_80 step %scan3A_81  : i32 {
          %mul3A_100 = arith.constant 2 : i32
          %mul3A_101 = arith.muli %mul3A_100, %scan3A_99 : i32
          %add3A_102 = arith.constant 0 : i32
          %add3A_103 = arith.addi %mul3A_101, %add3A_102 : i32
          %broadcast_in_dim3A = vector.broadcast %add3A_103 : i32 to vector<16xi32>
          %gather3A = arith.constant 0 : i32
          %gather3A_104 = arith.constant 0 : i32
          %gather3A_105 = tpu.memref_slice %arg4[%rem3A_32, %gather3A, %gather3A_104] : memref<2x64x129xf32, #tpu.memory_space<vmem>> -> memref<1x64x129xf32, #tpu.memory_space<vmem>>
          %gather3A_106 = tpu.memref_squeeze %gather3A_105 : memref<1x64x129xf32, #tpu.memory_space<vmem>> -> memref<64x129xf32, #tpu.memory_space<vmem>>
          %gather3A_107 = tpu.vector_load_idx %gather3A_106[%add3A_3, %broadcast_in_dim3A] : memref<64x129xf32, #tpu.memory_space<vmem>>[vector<16xi32>, vector<16xi32>], vector<16xf32>,
          %swap3A = arith.index_cast %rem3A_32 : i32 to index
          %swap3A_108 = arith.index_cast %scan3A_99 : i32 to index
          %swap3A_109 = arith.constant 0 : index
          %swap3A_110 = tpu.vector_load %arg5[%swap3A, %swap3A_108, %swap3A_109] {strides = array<i32>} : memref<2x64x128xf32, #tpu.memory_space<vmem>>, vector<16xf32>,
          tpu.vector_store %arg5[%swap3A, %swap3A_108, %swap3A_109], %gather3A_107 {strides = array<i32>} : memref<2x64x128xf32, #tpu.memory_space<vmem>>, vector<16xf32>,
          %gather3A_111 = arith.constant 0 : i32
          %gather3A_112 = arith.constant 0 : i32
          %gather3A_113 = tpu.memref_slice %arg4[%rem3A_32, %gather3A_111, %gather3A_112] : memref<2x64x129xf32, #tpu.memory_space<vmem>> -> memref<1x64x129xf32, #tpu.memory_space<vmem>>
          %gather3A_114 = tpu.memref_squeeze %gather3A_113 : memref<1x64x129xf32, #tpu.memory_space<vmem>> -> memref<64x129xf32, #tpu.memory_space<vmem>>
          %gather3A_115 = tpu.vector_load_idx %gather3A_114[%add3A_7, %broadcast_in_dim3A] : memref<64x129xf32, #tpu.memory_space<vmem>>[vector<16xi32>, vector<16xi32>], vector<16xf32>,
          %swap3A_116 = arith.index_cast %rem3A_32 : i32 to index
          %swap3A_117 = arith.index_cast %scan3A_99 : i32 to index
          %swap3A_118 = arith.constant 16 : index
          %swap3A_119 = tpu.vector_load %arg5[%swap3A_116, %swap3A_117, %swap3A_118] {strides = array<i32>} : memref<2x64x128xf32, #tpu.memory_space<vmem>>, vector<16xf32>,
          tpu.vector_store %arg5[%swap3A_116, %swap3A_117, %swap3A_118], %gather3A_115 {strides = array<i32>} : memref<2x64x128xf32, #tpu.memory_space<vmem>>, vector<16xf32>,
          %gather3A_120 = arith.constant 0 : i32
          %gather3A_121 = arith.constant 0 : i32
          %gather3A_122 = tpu.memref_slice %arg4[%rem3A_32, %gather3A_120, %gather3A_121] : memref<2x64x129xf32, #tpu.memory_space<vmem>> -> memref<1x64x129xf32, #tpu.memory_space<vmem>>
          %gather3A_123 = tpu.memref_squeeze %gather3A_122 : memref<1x64x129xf32, #tpu.memory_space<vmem>> -> memref<64x129xf32, #tpu.memory_space<vmem>>
          %gather3A_124 = tpu.vector_load_idx %gather3A_123[%add3A_11, %broadcast_in_dim3A] : memref<64x129xf32, #tpu.memory_space<vmem>>[vector<16xi32>, vector<16xi32>], vector<16xf32>,
          %swap3A_125 = arith.index_cast %rem3A_32 : i32 to index
          %swap3A_126 = arith.index_cast %scan3A_99 : i32 to index
          %swap3A_127 = arith.constant 32 : index
          %swap3A_128 = tpu.vector_load %arg5[%swap3A_125, %swap3A_126, %swap3A_127] {strides = array<i32>} : memref<2x64x128xf32, #tpu.memory_space<vmem>>, vector<16xf32>,
          tpu.vector_store %arg5[%swap3A_125, %swap3A_126, %swap3A_127], %gather3A_124 {strides = array<i32>} : memref<2x64x128xf32, #tpu.memory_space<vmem>>, vector<16xf32>,
          %gather3A_129 = arith.constant 0 : i32
          %gather3A_130 = arith.constant 0 : i32
          %gather3A_131 = tpu.memref_slice %arg4[%rem3A_32, %gather3A_129, %gather3A_130] : memref<2x64x129xf32, #tpu.memory_space<vmem>> -> memref<1x64x129xf32, #tpu.memory_space<vmem>>
          %gather3A_132 = tpu.memref_squeeze %gather3A_131 : memref<1x64x129xf32, #tpu.memory_space<vmem>> -> memref<64x129xf32, #tpu.memory_space<vmem>>
          %gather3A_133 = tpu.vector_load_idx %gather3A_132[%add3A_15, %broadcast_in_dim3A] : memref<64x129xf32, #tpu.memory_space<vmem>>[vector<16xi32>, vector<16xi32>], vector<16xf32>,
          %swap3A_134 = arith.index_cast %rem3A_32 : i32 to index
          %swap3A_135 = arith.index_cast %scan3A_99 : i32 to index
          %swap3A_136 = arith.constant 48 : index
          %swap3A_137 = tpu.vector_load %arg5[%swap3A_134, %swap3A_135, %swap3A_136] {strides = array<i32>} : memref<2x64x128xf32, #tpu.memory_space<vmem>>, vector<16xf32>,
          tpu.vector_store %arg5[%swap3A_134, %swap3A_135, %swap3A_136], %gather3A_133 {strides = array<i32>} : memref<2x64x128xf32, #tpu.memory_space<vmem>>, vector<16xf32>,
          %mul3A_138 = arith.constant 2 : i32
          %mul3A_139 = arith.muli %mul3A_138, %scan3A_99 : i32
          %add3A_140 = arith.constant 1 : i32
          %add3A_141 = arith.addi %mul3A_139, %add3A_140 : i32
          %broadcast_in_dim3A_142 = vector.broadcast %add3A_141 : i32 to vector<16xi32>
          %gather3A_143 = arith.constant 0 : i32
          %gather3A_144 = arith.constant 0 : i32
          %gather3A_145 = tpu.memref_slice %arg4[%rem3A_32, %gather3A_143, %gather3A_144] : memref<2x64x129xf32, #tpu.memory_space<vmem>> -> memref<1x64x129xf32, #tpu.memory_space<vmem>>
          %gather3A_146 = tpu.memref_squeeze %gather3A_145 : memref<1x64x129xf32, #tpu.memory_space<vmem>> -> memref<64x129xf32, #tpu.memory_space<vmem>>
          %gather3A_147 = tpu.vector_load_idx %gather3A_146[%add3A_3, %broadcast_in_dim3A_142] : memref<64x129xf32, #tpu.memory_space<vmem>>[vector<16xi32>, vector<16xi32>], vector<16xf32>,
          %swap3A_148 = arith.index_cast %rem3A_32 : i32 to index
          %swap3A_149 = arith.index_cast %scan3A_99 : i32 to index
          %swap3A_150 = arith.constant 64 : index
          %swap3A_151 = tpu.vector_load %arg5[%swap3A_148, %swap3A_149, %swap3A_150] {strides = array<i32>} : memref<2x64x128xf32, #tpu.memory_space<vmem>>, vector<16xf32>,
          tpu.vector_store %arg5[%swap3A_148, %swap3A_149, %swap3A_150], %gather3A_147 {strides = array<i32>} : memref<2x64x128xf32, #tpu.memory_space<vmem>>, vector<16xf32>,
          %gather3A_152 = arith.constant 0 : i32
          %gather3A_153 = arith.constant 0 : i32
          %gather3A_154 = tpu.memref_slice %arg4[%rem3A_32, %gather3A_152, %gather3A_153] : memref<2x64x129xf32, #tpu.memory_space<vmem>> -> memref<1x64x129xf32, #tpu.memory_space<vmem>>
          %gather3A_155 = tpu.memref_squeeze %gather3A_154 : memref<1x64x129xf32, #tpu.memory_space<vmem>> -> memref<64x129xf32, #tpu.memory_space<vmem>>
          %gather3A_156 = tpu.vector_load_idx %gather3A_155[%add3A_7, %broadcast_in_dim3A_142] : memref<64x129xf32, #tpu.memory_space<vmem>>[vector<16xi32>, vector<16xi32>], vector<16xf32>,
          %swap3A_157 = arith.index_cast %rem3A_32 : i32 to index
          %swap3A_158 = arith.index_cast %scan3A_99 : i32 to index
          %swap3A_159 = arith.constant 80 : index
          %swap3A_160 = tpu.vector_load %arg5[%swap3A_157, %swap3A_158, %swap3A_159] {strides = array<i32>} : memref<2x64x128xf32, #tpu.memory_space<vmem>>, vector<16xf32>,
          tpu.vector_store %arg5[%swap3A_157, %swap3A_158, %swap3A_159], %gather3A_156 {strides = array<i32>} : memref<2x64x128xf32, #tpu.memory_space<vmem>>, vector<16xf32>,
          %gather3A_161 = arith.constant 0 : i32
          %gather3A_162 = arith.constant 0 : i32
          %gather3A_163 = tpu.memref_slice %arg4[%rem3A_32, %gather3A_161, %gather3A_162] : memref<2x64x129xf32, #tpu.memory_space<vmem>> -> memref<1x64x129xf32, #tpu.memory_space<vmem>>
          %gather3A_164 = tpu.memref_squeeze %gather3A_163 : memref<1x64x129xf32, #tpu.memory_space<vmem>> -> memref<64x129xf32, #tpu.memory_space<vmem>>
          %gather3A_165 = tpu.vector_load_idx %gather3A_164[%add3A_11, %broadcast_in_dim3A_142] : memref<64x129xf32, #tpu.memory_space<vmem>>[vector<16xi32>, vector<16xi32>], vector<16xf32>,
          %swap3A_166 = arith.index_cast %rem3A_32 : i32 to index
          %swap3A_167 = arith.index_cast %scan3A_99 : i32 to index
          %swap3A_168 = arith.constant 96 : index
          %swap3A_169 = tpu.vector_load %arg5[%swap3A_166, %swap3A_167, %swap3A_168] {strides = array<i32>} : memref<2x64x128xf32, #tpu.memory_space<vmem>>, vector<16xf32>,
          tpu.vector_store %arg5[%swap3A_166, %swap3A_167, %swap3A_168], %gather3A_165 {strides = array<i32>} : memref<2x64x128xf32, #tpu.memory_space<vmem>>, vector<16xf32>,
          %gather3A_170 = arith.constant 0 : i32
          %gather3A_171 = arith.constant 0 : i32
          %gather3A_172 = tpu.memref_slice %arg4[%rem3A_32, %gather3A_170, %gather3A_171] : memref<2x64x129xf32, #tpu.memory_space<vmem>> -> memref<1x64x129xf32, #tpu.memory_space<vmem>>
          %gather3A_173 = tpu.memref_squeeze %gather3A_172 : memref<1x64x129xf32, #tpu.memory_space<vmem>> -> memref<64x129xf32, #tpu.memory_space<vmem>>
          %gather3A_174 = tpu.vector_load_idx %gather3A_173[%add3A_15, %broadcast_in_dim3A_142] : memref<64x129xf32, #tpu.memory_space<vmem>>[vector<16xi32>, vector<16xi32>], vector<16xf32>,
          %swap3A_175 = arith.index_cast %rem3A_32 : i32 to index
          %swap3A_176 = arith.index_cast %scan3A_99 : i32 to index
          %swap3A_177 = arith.constant 112 : index
          %swap3A_178 = tpu.vector_load %arg5[%swap3A_175, %swap3A_176, %swap3A_177] {strides = array<i32>} : memref<2x64x128xf32, #tpu.memory_space<vmem>>, vector<16xf32>,
          tpu.vector_store %arg5[%swap3A_175, %swap3A_176, %swap3A_177], %gather3A_174 {strides = array<i32>} : memref<2x64x128xf32, #tpu.memory_space<vmem>>, vector<16xf32>,
        }
        %scan3A_82 = arith.constant 64 : i32
        %mul3A_83 = arith.constant 32 : i32
        %mul3A_84 = arith.muli %scan3A_31, %mul3A_83 : i32
        %add3A_85 = arith.addi %add3A, %mul3A_84 : i32
        %mul3A_86 = arith.constant 64 : i32
        %mul3A_87 = arith.muli %add3A_85, %mul3A_86 : i32
        %dma_start3A = arith.constant 0 : i32
        %dma_start3A_88 = arith.constant 0 : i32
        %dma_start3A_89 = tpu.memref_slice %arg5[%rem3A_32, %dma_start3A, %dma_start3A_88] : memref<2x64x128xf32, #tpu.memory_space<vmem>> -> memref<1x64x128xf32, #tpu.memory_space<vmem>>
        %dma_start3A_90 = tpu.memref_squeeze %dma_start3A_89 : memref<1x64x128xf32, #tpu.memory_space<vmem>> -> memref<64x128xf32, #tpu.memory_space<vmem>>
        %dma_start3A_91 = arith.constant 0 : i32
        %dma_start3A_92 = tpu.memref_slice %arg3[%mul3A_87, %dma_start3A_91] : memref<500000x128xf32, #tpu.memory_space<hbm>> -> memref<64x128xf32, #tpu.memory_space<hbm>>
        %dma_start3A_93 = arith.constant 0 : i32
        %dma_start3A_94 = tpu.memref_slice %arg3[%mul3A_87, %dma_start3A_93] : memref<500000x128xf32, #tpu.memory_space<hbm>> -> memref<64x128xf32, #tpu.memory_space<hbm>>
        %dma_start3A_95 = arith.constant 0 : i32
        %dma_start3A_96 = arith.constant 0 : i32
        %dma_start3A_97 = tpu.memref_slice %arg5[%rem3A_32, %dma_start3A_95, %dma_start3A_96] : memref<2x64x128xf32, #tpu.memory_space<vmem>> -> memref<1x64x128xf32, #tpu.memory_space<vmem>>
        %dma_start3A_98 = tpu.memref_squeeze %dma_start3A_97 : memref<1x64x128xf32, #tpu.memory_space<vmem>> -> memref<64x128xf32, #tpu.memory_space<vmem>>
        tpu.enqueue_dma source(%dma_start3A_98 : memref<64x128xf32, #tpu.memory_space<vmem>>) target(%dma_start3A_94 : memref<64x128xf32, #tpu.memory_space<hbm>>) target_semaphore(%arg7 : memref<!tpu.dma_semaphore, #tpu.memory_space<semaphore_mem>>)
      } else {
      }
    }
    %scan3A_24 = arith.constant 245 : i32
    %scan3A_25 = arith.constant 0 : i32
    %scan3A_26 = arith.constant 243 : i32
    %scan3A_27 = arith.constant 2 : i32
    %scan3A_28 = arith.addi %scan3A_26, %scan3A_27 : i32
    %scan3A_29 = arith.constant 1 : i32
    scf.for %scan3A_31 = %scan3A_26 to %scan3A_28 step %scan3A_29  : i32 {
      %mul3A_32 = arith.constant 32 : i32
      %mul3A_33 = arith.muli %scan3A_31, %mul3A_32 : i32
      %add3A_34 = arith.addi %add3A, %mul3A_33 : i32
      %lt3A_35 = arith.constant 7812 : i32
      %lt3A_36 = arith.cmpi slt, %add3A_34, %lt3A_35 : i32
      %convert_element_type3A_37 = arith.extui %lt3A_36 : i1 to i32
      %cond3A_38 = arith.constant 0 : i32
      %cond3A_39 = arith.cmpi ne, %convert_element_type3A_37, %cond3A_38 : i32
      scf.if %cond3A_39 {
        %rem3A = arith.constant 2 : i32
        %rem3A_40 = arith.remsi %scan3A_31, %rem3A : i32
        %mul3A_41 = arith.constant 32 : i32
        %mul3A_42 = arith.muli %scan3A_31, %mul3A_41 : i32
        %add3A_43 = arith.addi %add3A, %mul3A_42 : i32
        %mul3A_44 = arith.constant 64 : i32
        %mul3A_45 = arith.muli %add3A_43, %mul3A_44 : i32
        %dma_wait3A = arith.constant 0 : i32
        %dma_wait3A_46 = arith.constant 0 : i32
        %dma_wait3A_47 = tpu.memref_slice %arg5[%rem3A_40, %dma_wait3A, %dma_wait3A_46] : memref<2x64x128xf32, #tpu.memory_space<vmem>> -> memref<1x64x128xf32, #tpu.memory_space<vmem>>
        %dma_wait3A_48 = tpu.memref_squeeze %dma_wait3A_47 : memref<1x64x128xf32, #tpu.memory_space<vmem>> -> memref<64x128xf32, #tpu.memory_space<vmem>>
        %dma_wait3A_49 = arith.constant 0 : i32
        %dma_wait3A_50 = tpu.memref_slice %arg3[%mul3A_45, %dma_wait3A_49] : memref<500000x128xf32, #tpu.memory_space<hbm>> -> memref<64x128xf32, #tpu.memory_space<hbm>>
        %dma_wait3A_51 = arith.constant 0 : i32
        %dma_wait3A_52 = tpu.memref_slice %arg3[%mul3A_45, %dma_wait3A_51] : memref<500000x128xf32, #tpu.memory_space<hbm>> -> memref<64x128xf32, #tpu.memory_space<hbm>>
        %dma_wait3A_53 = arith.constant 0 : i32
        %dma_wait3A_54 = arith.constant 0 : i32
        %dma_wait3A_55 = tpu.memref_slice %arg5[%rem3A_40, %dma_wait3A_53, %dma_wait3A_54] : memref<2x64x128xf32, #tpu.memory_space<vmem>> -> memref<1x64x128xf32, #tpu.memory_space<vmem>>
        %dma_wait3A_56 = tpu.memref_squeeze %dma_wait3A_55 : memref<1x64x128xf32, #tpu.memory_space<vmem>> -> memref<64x128xf32, #tpu.memory_space<vmem>>
        tpu.wait_dma2 semaphore(%arg7 : memref<!tpu.dma_semaphore, #tpu.memory_space<semaphore_mem>>) src(%dma_wait3A_56 : memref<64x128xf32, #tpu.memory_space<vmem>>) dst(%dma_wait3A_52 : memref<64x128xf32, #tpu.memory_space<hbm>>)
      } else {
      }
    }
    %scan3A_30 = arith.constant 2 : i32
    return
  }
}

#map = affine_map<(d0, d1) -> (0, 0)>
#map1 = affine_map<(d0, d1) -> (0, 0, 0, 0, 0)>
module attributes {stable_mosaic.version = 14 : i64} {
  func.func @k(%arg0: i32, %arg1: i32, %arg2: memref<4096x200xi32, #tpu.memory_space<hbm>>, %arg3: memref<1000000x64xf32, #tpu.memory_space<hbm>>, %arg4: memref<200x64xf32, #tpu.memory_space<hbm>>, %arg5: memref<200x8x32x8x128xf32, #tpu.memory_space<hbm>>, %arg6: memref<128x201xi32, #tpu.memory_space<vmem>>, %arg7: memref<200x128xi32, #tpu.memory_space<vmem>>, %arg8: memref<200x64xf32, #tpu.memory_space<vmem>>, %arg9: memref<2x128x64xf32, #tpu.memory_space<vmem>>, %arg10: memref<2x64x129xf32, #tpu.memory_space<vmem>>, %arg11: memref<!tpu.dma_semaphore, #tpu.memory_space<semaphore_mem>>, %arg12: memref<!tpu.dma_semaphore, #tpu.memory_space<semaphore_mem>>) attributes {dimension_semantics = [#tpu.dimension_semantics<core_parallel>, #tpu.dimension_semantics<subcore_parallel>], iteration_bounds = array<i64: 2, 16>, scalar_prefetch = 0 : i64, scratch_operands = 7 : i64, tpu.core_type = #tpu.core_type<sc_vector_subcore>, window_params = [{transform_indices = #map}, {transform_indices = #map}, {transform_indices = #map}, {transform_indices = #map1}]} {
    %mul3A = arith.constant 2 : i32
    %mul3A_0 = arith.muli %arg1, %mul3A : i32
    %add3A = arith.addi %mul3A_0, %arg0 : i32
    "tpu.region"() ({
      %run_scoped3A = tpu.sem_alloc : memref<!tpu.dma_semaphore, #tpu.memory_space<semaphore_mem>>
      tpu.enqueue_dma source(%arg4 : memref<200x64xf32, #tpu.memory_space<hbm>>) target(%arg8 : memref<200x64xf32, #tpu.memory_space<vmem>>) target_semaphore(%run_scoped3A : memref<!tpu.dma_semaphore, #tpu.memory_space<semaphore_mem>>)
      tpu.wait_dma2 semaphore(%run_scoped3A : memref<!tpu.dma_semaphore, #tpu.memory_space<semaphore_mem>>) src(%arg4 : memref<200x64xf32, #tpu.memory_space<hbm>>) dst(%arg8 : memref<200x64xf32, #tpu.memory_space<vmem>>)
      tpu.yield
    }) : () -> ()
    %mul3A_1 = arith.constant 128 : i32
    %mul3A_2 = arith.muli %add3A, %mul3A_1 : i32
    "tpu.region"() ({
      %run_scoped3A = tpu.sem_alloc : memref<!tpu.dma_semaphore, #tpu.memory_space<semaphore_mem>>
      %dma_start3A_375 = arith.constant 0 : i32
      %dma_start3A_376 = arith.constant 0 : i32
      %dma_start3A_377 = tpu.memref_slice %arg6[%dma_start3A_375, %dma_start3A_376] : memref<128x201xi32, #tpu.memory_space<vmem>> -> memref<128x200xi32, #tpu.memory_space<vmem>>
      %dma_start3A_378 = arith.constant 0 : i32
      %dma_start3A_379 = tpu.memref_slice %arg2[%mul3A_2, %dma_start3A_378] : memref<4096x200xi32, #tpu.memory_space<hbm>> -> memref<128x200xi32, #tpu.memory_space<hbm>>
      %dma_start3A_380 = arith.constant 0 : i32
      %dma_start3A_381 = arith.constant 0 : i32
      %dma_start3A_382 = tpu.memref_slice %arg6[%dma_start3A_380, %dma_start3A_381] : memref<128x201xi32, #tpu.memory_space<vmem>> -> memref<128x200xi32, #tpu.memory_space<vmem>>
      %dma_start3A_383 = arith.constant 0 : i32
      %dma_start3A_384 = tpu.memref_slice %arg2[%mul3A_2, %dma_start3A_383] : memref<4096x200xi32, #tpu.memory_space<hbm>> -> memref<128x200xi32, #tpu.memory_space<hbm>>
      tpu.enqueue_dma source(%dma_start3A_384 : memref<128x200xi32, #tpu.memory_space<hbm>>) target(%dma_start3A_382 : memref<128x200xi32, #tpu.memory_space<vmem>>) target_semaphore(%run_scoped3A : memref<!tpu.dma_semaphore, #tpu.memory_space<semaphore_mem>>)
      %dma_wait3A_385 = arith.constant 0 : i32
      %dma_wait3A_386 = arith.constant 0 : i32
      %dma_wait3A_387 = tpu.memref_slice %arg6[%dma_wait3A_385, %dma_wait3A_386] : memref<128x201xi32, #tpu.memory_space<vmem>> -> memref<128x200xi32, #tpu.memory_space<vmem>>
      %dma_wait3A_388 = arith.constant 0 : i32
      %dma_wait3A_389 = tpu.memref_slice %arg2[%mul3A_2, %dma_wait3A_388] : memref<4096x200xi32, #tpu.memory_space<hbm>> -> memref<128x200xi32, #tpu.memory_space<hbm>>
      %dma_wait3A_390 = arith.constant 0 : i32
      %dma_wait3A_391 = arith.constant 0 : i32
      %dma_wait3A_392 = tpu.memref_slice %arg6[%dma_wait3A_390, %dma_wait3A_391] : memref<128x201xi32, #tpu.memory_space<vmem>> -> memref<128x200xi32, #tpu.memory_space<vmem>>
      %dma_wait3A_393 = arith.constant 0 : i32
      %dma_wait3A_394 = tpu.memref_slice %arg2[%mul3A_2, %dma_wait3A_393] : memref<4096x200xi32, #tpu.memory_space<hbm>> -> memref<128x200xi32, #tpu.memory_space<hbm>>
      tpu.wait_dma2 semaphore(%run_scoped3A : memref<!tpu.dma_semaphore, #tpu.memory_space<semaphore_mem>>) src(%dma_wait3A_394 : memref<128x200xi32, #tpu.memory_space<hbm>>) dst(%dma_wait3A_392 : memref<128x200xi32, #tpu.memory_space<vmem>>)
      tpu.yield
    }) : () -> ()
    %iota3A = tpu.iota {dimensions = array<i32: 0>} : vector<16xi32>
    %add3A_3 = arith.constant 0 : i32
    %add3A_4 = vector.broadcast %add3A_3 : i32 to vector<16xi32>
    %add3A_5 = arith.addi %iota3A, %add3A_4 : vector<16xi32>
    %iota3A_6 = tpu.iota {dimensions = array<i32: 0>} : vector<16xi32>
    %add3A_7 = arith.constant 16 : i32
    %add3A_8 = vector.broadcast %add3A_7 : i32 to vector<16xi32>
    %add3A_9 = arith.addi %iota3A_6, %add3A_8 : vector<16xi32>
    %iota3A_10 = tpu.iota {dimensions = array<i32: 0>} : vector<16xi32>
    %add3A_11 = arith.constant 32 : i32
    %add3A_12 = vector.broadcast %add3A_11 : i32 to vector<16xi32>
    %add3A_13 = arith.addi %iota3A_10, %add3A_12 : vector<16xi32>
    %iota3A_14 = tpu.iota {dimensions = array<i32: 0>} : vector<16xi32>
    %add3A_15 = arith.constant 48 : i32
    %add3A_16 = vector.broadcast %add3A_15 : i32 to vector<16xi32>
    %add3A_17 = arith.addi %iota3A_14, %add3A_16 : vector<16xi32>
    %iota3A_18 = tpu.iota {dimensions = array<i32: 0>} : vector<16xi32>
    %add3A_19 = arith.constant 64 : i32
    %add3A_20 = vector.broadcast %add3A_19 : i32 to vector<16xi32>
    %add3A_21 = arith.addi %iota3A_18, %add3A_20 : vector<16xi32>
    %iota3A_22 = tpu.iota {dimensions = array<i32: 0>} : vector<16xi32>
    %add3A_23 = arith.constant 80 : i32
    %add3A_24 = vector.broadcast %add3A_23 : i32 to vector<16xi32>
    %add3A_25 = arith.addi %iota3A_22, %add3A_24 : vector<16xi32>
    %iota3A_26 = tpu.iota {dimensions = array<i32: 0>} : vector<16xi32>
    %add3A_27 = arith.constant 96 : i32
    %add3A_28 = vector.broadcast %add3A_27 : i32 to vector<16xi32>
    %add3A_29 = arith.addi %iota3A_26, %add3A_28 : vector<16xi32>
    %iota3A_30 = tpu.iota {dimensions = array<i32: 0>} : vector<16xi32>
    %add3A_31 = arith.constant 112 : i32
    %add3A_32 = vector.broadcast %add3A_31 : i32 to vector<16xi32>
    %add3A_33 = arith.addi %iota3A_30, %add3A_32 : vector<16xi32>
    %scan3A = arith.constant 0 : i32
    %scan3A_34 = arith.constant 0 : i32
    %scan3A_35 = arith.constant 200 : i32
    %scan3A_36 = arith.addi %scan3A_34, %scan3A_35 : i32
    %scan3A_37 = arith.constant 1 : i32
    scf.for %scan3A_375 = %scan3A_34 to %scan3A_36 step %scan3A_37  : i32 {
      %broadcast_in_dim3A = vector.broadcast %scan3A_375 : i32 to vector<16xi32>
      %gather3A = tpu.vector_load_idx %arg6[%add3A_5, %broadcast_in_dim3A] : memref<128x201xi32, #tpu.memory_space<vmem>>[vector<16xi32>, vector<16xi32>], vector<16xi32>,
      %swap3A = arith.index_cast %scan3A_375 : i32 to index
      %swap3A_376 = arith.constant 0 : index
      %swap3A_377 = tpu.vector_load %arg7[%swap3A, %swap3A_376] {strides = array<i32>} : memref<200x128xi32, #tpu.memory_space<vmem>>, vector<16xi32>,
      tpu.vector_store %arg7[%swap3A, %swap3A_376], %gather3A {strides = array<i32>} : memref<200x128xi32, #tpu.memory_space<vmem>>, vector<16xi32>,
      %gather3A_378 = tpu.vector_load_idx %arg6[%add3A_9, %broadcast_in_dim3A] : memref<128x201xi32, #tpu.memory_space<vmem>>[vector<16xi32>, vector<16xi32>], vector<16xi32>,
      %swap3A_379 = arith.index_cast %scan3A_375 : i32 to index
      %swap3A_380 = arith.constant 16 : index
      %swap3A_381 = tpu.vector_load %arg7[%swap3A_379, %swap3A_380] {strides = array<i32>} : memref<200x128xi32, #tpu.memory_space<vmem>>, vector<16xi32>,
      tpu.vector_store %arg7[%swap3A_379, %swap3A_380], %gather3A_378 {strides = array<i32>} : memref<200x128xi32, #tpu.memory_space<vmem>>, vector<16xi32>,
      %gather3A_382 = tpu.vector_load_idx %arg6[%add3A_13, %broadcast_in_dim3A] : memref<128x201xi32, #tpu.memory_space<vmem>>[vector<16xi32>, vector<16xi32>], vector<16xi32>,
      %swap3A_383 = arith.index_cast %scan3A_375 : i32 to index
      %swap3A_384 = arith.constant 32 : index
      %swap3A_385 = tpu.vector_load %arg7[%swap3A_383, %swap3A_384] {strides = array<i32>} : memref<200x128xi32, #tpu.memory_space<vmem>>, vector<16xi32>,
      tpu.vector_store %arg7[%swap3A_383, %swap3A_384], %gather3A_382 {strides = array<i32>} : memref<200x128xi32, #tpu.memory_space<vmem>>, vector<16xi32>,
      %gather3A_386 = tpu.vector_load_idx %arg6[%add3A_17, %broadcast_in_dim3A] : memref<128x201xi32, #tpu.memory_space<vmem>>[vector<16xi32>, vector<16xi32>], vector<16xi32>,
      %swap3A_387 = arith.index_cast %scan3A_375 : i32 to index
      %swap3A_388 = arith.constant 48 : index
      %swap3A_389 = tpu.vector_load %arg7[%swap3A_387, %swap3A_388] {strides = array<i32>} : memref<200x128xi32, #tpu.memory_space<vmem>>, vector<16xi32>,
      tpu.vector_store %arg7[%swap3A_387, %swap3A_388], %gather3A_386 {strides = array<i32>} : memref<200x128xi32, #tpu.memory_space<vmem>>, vector<16xi32>,
      %gather3A_390 = tpu.vector_load_idx %arg6[%add3A_21, %broadcast_in_dim3A] : memref<128x201xi32, #tpu.memory_space<vmem>>[vector<16xi32>, vector<16xi32>], vector<16xi32>,
      %swap3A_391 = arith.index_cast %scan3A_375 : i32 to index
      %swap3A_392 = arith.constant 64 : index
      %swap3A_393 = tpu.vector_load %arg7[%swap3A_391, %swap3A_392] {strides = array<i32>} : memref<200x128xi32, #tpu.memory_space<vmem>>, vector<16xi32>,
      tpu.vector_store %arg7[%swap3A_391, %swap3A_392], %gather3A_390 {strides = array<i32>} : memref<200x128xi32, #tpu.memory_space<vmem>>, vector<16xi32>,
      %gather3A_394 = tpu.vector_load_idx %arg6[%add3A_25, %broadcast_in_dim3A] : memref<128x201xi32, #tpu.memory_space<vmem>>[vector<16xi32>, vector<16xi32>], vector<16xi32>,
      %swap3A_395 = arith.index_cast %scan3A_375 : i32 to index
      %swap3A_396 = arith.constant 80 : index
      %swap3A_397 = tpu.vector_load %arg7[%swap3A_395, %swap3A_396] {strides = array<i32>} : memref<200x128xi32, #tpu.memory_space<vmem>>, vector<16xi32>,
      tpu.vector_store %arg7[%swap3A_395, %swap3A_396], %gather3A_394 {strides = array<i32>} : memref<200x128xi32, #tpu.memory_space<vmem>>, vector<16xi32>,
      %gather3A_398 = tpu.vector_load_idx %arg6[%add3A_29, %broadcast_in_dim3A] : memref<128x201xi32, #tpu.memory_space<vmem>>[vector<16xi32>, vector<16xi32>], vector<16xi32>,
      %swap3A_399 = arith.index_cast %scan3A_375 : i32 to index
      %swap3A_400 = arith.constant 96 : index
      %swap3A_401 = tpu.vector_load %arg7[%swap3A_399, %swap3A_400] {strides = array<i32>} : memref<200x128xi32, #tpu.memory_space<vmem>>, vector<16xi32>,
      tpu.vector_store %arg7[%swap3A_399, %swap3A_400], %gather3A_398 {strides = array<i32>} : memref<200x128xi32, #tpu.memory_space<vmem>>, vector<16xi32>,
      %gather3A_402 = tpu.vector_load_idx %arg6[%add3A_33, %broadcast_in_dim3A] : memref<128x201xi32, #tpu.memory_space<vmem>>[vector<16xi32>, vector<16xi32>], vector<16xi32>,
      %swap3A_403 = arith.index_cast %scan3A_375 : i32 to index
      %swap3A_404 = arith.constant 112 : index
      %swap3A_405 = tpu.vector_load %arg7[%swap3A_403, %swap3A_404] {strides = array<i32>} : memref<200x128xi32, #tpu.memory_space<vmem>>, vector<16xi32>,
      tpu.vector_store %arg7[%swap3A_403, %swap3A_404], %gather3A_402 {strides = array<i32>} : memref<200x128xi32, #tpu.memory_space<vmem>>, vector<16xi32>,
    }
    %scan3A_38 = arith.constant 200 : i32
    %iota3A_39 = tpu.iota {dimensions = array<i32: 0>} : vector<16xi32>
    %add3A_40 = arith.constant 0 : i32
    %add3A_41 = vector.broadcast %add3A_40 : i32 to vector<16xi32>
    %add3A_42 = arith.addi %iota3A_39, %add3A_41 : vector<16xi32>
    %iota3A_43 = tpu.iota {dimensions = array<i32: 0>} : vector<16xi32>
    %add3A_44 = arith.constant 16 : i32
    %add3A_45 = vector.broadcast %add3A_44 : i32 to vector<16xi32>
    %add3A_46 = arith.addi %iota3A_43, %add3A_45 : vector<16xi32>
    %iota3A_47 = tpu.iota {dimensions = array<i32: 0>} : vector<16xi32>
    %add3A_48 = arith.constant 32 : i32
    %add3A_49 = vector.broadcast %add3A_48 : i32 to vector<16xi32>
    %add3A_50 = arith.addi %iota3A_47, %add3A_49 : vector<16xi32>
    %iota3A_51 = tpu.iota {dimensions = array<i32: 0>} : vector<16xi32>
    %add3A_52 = arith.constant 48 : i32
    %add3A_53 = vector.broadcast %add3A_52 : i32 to vector<16xi32>
    %add3A_54 = arith.addi %iota3A_51, %add3A_53 : vector<16xi32>
    %dma_start3A = arith.constant 0 : i32
    %dma_start3A_55 = arith.constant 0 : i32
    %dma_start3A_56 = arith.constant 0 : i32
    %dma_start3A_57 = arith.constant 0 : i32
    %dma_start3A_58 = tpu.memref_slice %arg9[%dma_start3A_55, %dma_start3A_56, %dma_start3A_57] : memref<2x128x64xf32, #tpu.memory_space<vmem>> -> memref<1x128x64xf32, #tpu.memory_space<vmem>>
    %dma_start3A_59 = tpu.memref_squeeze %dma_start3A_58 : memref<1x128x64xf32, #tpu.memory_space<vmem>> -> memref<128x64xf32, #tpu.memory_space<vmem>>
    %dma_start3A_60 = arith.constant 0 : i32
    %dma_start3A_61 = tpu.memref_slice %arg7[%dma_start3A, %dma_start3A_60] : memref<200x128xi32, #tpu.memory_space<vmem>> -> memref<1x128xi32, #tpu.memory_space<vmem>>
    %dma_start3A_62 = tpu.memref_squeeze %dma_start3A_61 : memref<1x128xi32, #tpu.memory_space<vmem>> -> memref<128xi32, #tpu.memory_space<vmem>>
    %dma_start3A_63 = arith.constant 0 : i32
    %dma_start3A_64 = arith.constant 0 : i32
    %dma_start3A_65 = tpu.memref_slice %arg3[%dma_start3A_63, %dma_start3A_64] : memref<1000000x64xf32, #tpu.memory_space<hbm>> -> memref<1000000x64xf32, #tpu.memory_space<hbm>>
    tpu.enqueue_indirect_dma source(%dma_start3A_65 : memref<1000000x64xf32, #tpu.memory_space<hbm>>) target(%dma_start3A_59 : memref<128x64xf32, #tpu.memory_space<vmem>>) offsets(%dma_start3A_62 : memref<128xi32, #tpu.memory_space<vmem>>) semaphore(%arg11 : memref<!tpu.dma_semaphore, #tpu.memory_space<semaphore_mem>>)
    %scan3A_66 = arith.constant 0 : i32
    %scan3A_67 = arith.constant 0 : i32
    %scan3A_68 = arith.constant 200 : i32
    %scan3A_69 = arith.addi %scan3A_67, %scan3A_68 : i32
    %scan3A_70 = arith.constant 1 : i32
    scf.for %scan3A_375 = %scan3A_67 to %scan3A_69 step %scan3A_70  : i32 {
      %rem3A = arith.constant 2 : i32
      %rem3A_376 = arith.remsi %scan3A_375, %rem3A : i32
      %add3A_377 = arith.constant 1 : i32
      %add3A_378 = arith.addi %scan3A_375, %add3A_377 : i32
      %lt3A = arith.constant 200 : i32
      %lt3A_379 = arith.cmpi slt, %add3A_378, %lt3A : i32
      %convert_element_type3A = arith.extui %lt3A_379 : i1 to i32
      %cond3A = arith.constant 0 : i32
      %cond3A_380 = arith.cmpi ne, %convert_element_type3A, %cond3A : i32
      scf.if %cond3A_380 {
        %add3A_548 = arith.constant 1 : i32
        %add3A_549 = arith.addi %scan3A_375, %add3A_548 : i32
        %sub3A = arith.constant 1 : i32
        %sub3A_550 = arith.subi %sub3A, %rem3A_376 : i32
        %dma_start3A_551 = arith.constant 0 : i32
        %dma_start3A_552 = arith.constant 0 : i32
        %dma_start3A_553 = tpu.memref_slice %arg9[%sub3A_550, %dma_start3A_551, %dma_start3A_552] : memref<2x128x64xf32, #tpu.memory_space<vmem>> -> memref<1x128x64xf32, #tpu.memory_space<vmem>>
        %dma_start3A_554 = tpu.memref_squeeze %dma_start3A_553 : memref<1x128x64xf32, #tpu.memory_space<vmem>> -> memref<128x64xf32, #tpu.memory_space<vmem>>
        %dma_start3A_555 = arith.constant 0 : i32
        %dma_start3A_556 = tpu.memref_slice %arg7[%add3A_549, %dma_start3A_555] : memref<200x128xi32, #tpu.memory_space<vmem>> -> memref<1x128xi32, #tpu.memory_space<vmem>>
        %dma_start3A_557 = tpu.memref_squeeze %dma_start3A_556 : memref<1x128xi32, #tpu.memory_space<vmem>> -> memref<128xi32, #tpu.memory_space<vmem>>
        %dma_start3A_558 = arith.constant 0 : i32
        %dma_start3A_559 = arith.constant 0 : i32
        %dma_start3A_560 = tpu.memref_slice %arg3[%dma_start3A_558, %dma_start3A_559] : memref<1000000x64xf32, #tpu.memory_space<hbm>> -> memref<1000000x64xf32, #tpu.memory_space<hbm>>
        tpu.enqueue_indirect_dma source(%dma_start3A_560 : memref<1000000x64xf32, #tpu.memory_space<hbm>>) target(%dma_start3A_554 : memref<128x64xf32, #tpu.memory_space<vmem>>) offsets(%dma_start3A_557 : memref<128xi32, #tpu.memory_space<vmem>>) semaphore(%arg11 : memref<!tpu.dma_semaphore, #tpu.memory_space<semaphore_mem>>)
      } else {
      }
      %dma_wait3A_381 = arith.constant 0 : i32
      %dma_wait3A_382 = arith.constant 0 : i32
      %dma_wait3A_383 = tpu.memref_slice %arg9[%rem3A_376, %dma_wait3A_381, %dma_wait3A_382] : memref<2x128x64xf32, #tpu.memory_space<vmem>> -> memref<1x128x64xf32, #tpu.memory_space<vmem>>
      %dma_wait3A_384 = tpu.memref_squeeze %dma_wait3A_383 : memref<1x128x64xf32, #tpu.memory_space<vmem>> -> memref<128x64xf32, #tpu.memory_space<vmem>>
      %dma_wait3A_385 = arith.constant 0 : i32
      %dma_wait3A_386 = tpu.memref_slice %arg7[%scan3A_375, %dma_wait3A_385] : memref<200x128xi32, #tpu.memory_space<vmem>> -> memref<1x128xi32, #tpu.memory_space<vmem>>
      %dma_wait3A_387 = tpu.memref_squeeze %dma_wait3A_386 : memref<1x128xi32, #tpu.memory_space<vmem>> -> memref<128xi32, #tpu.memory_space<vmem>>
      %dma_wait3A_388 = arith.constant 0 : i32
      %dma_wait3A_389 = arith.constant 0 : i32
      %dma_wait3A_390 = tpu.memref_slice %arg3[%dma_wait3A_388, %dma_wait3A_389] : memref<1000000x64xf32, #tpu.memory_space<hbm>> -> memref<1000000x64xf32, #tpu.memory_space<hbm>>
      tpu.wait_indirect_dma semaphore(%arg11 : memref<!tpu.dma_semaphore, #tpu.memory_space<semaphore_mem>>) src(%dma_wait3A_390 : memref<1000000x64xf32, #tpu.memory_space<hbm>>) dst(%dma_wait3A_384 : memref<128x64xf32, #tpu.memory_space<vmem>>)
      %ge3A = arith.constant 2 : i32
      %ge3A_391 = arith.cmpi sge, %scan3A_375, %ge3A : i32
      %convert_element_type3A_392 = arith.extui %ge3A_391 : i1 to i32
      %cond3A_393 = arith.constant 0 : i32
      %cond3A_394 = arith.cmpi ne, %convert_element_type3A_392, %cond3A_393 : i32
      scf.if %cond3A_394 {
        %sub3A = arith.constant 2 : i32
        %sub3A_548 = arith.subi %scan3A_375, %sub3A : i32
        %dma_wait3A_549 = arith.constant 0 : i32
        %dma_wait3A_550 = arith.constant 0 : i32
        %dma_wait3A_551 = arith.constant 0 : i32
        %dma_wait3A_552 = tpu.memref_slice %arg10[%rem3A_376, %dma_wait3A_550, %dma_wait3A_551] : memref<2x64x129xf32, #tpu.memory_space<vmem>> -> memref<1x8x128xf32, #tpu.memory_space<vmem>>
        %dma_wait3A_553 = tpu.memref_squeeze %dma_wait3A_552 : memref<1x8x128xf32, #tpu.memory_space<vmem>> -> memref<8x128xf32, #tpu.memory_space<vmem>>
        %dma_wait3A_554 = arith.constant 0 : i32
        %dma_wait3A_555 = arith.constant 0 : i32
        %dma_wait3A_556 = tpu.memref_slice %arg5[%sub3A_548, %dma_wait3A_549, %add3A, %dma_wait3A_554, %dma_wait3A_555] : memref<200x8x32x8x128xf32, #tpu.memory_space<hbm>> -> memref<1x1x1x8x128xf32, #tpu.memory_space<hbm>>
        %dma_wait3A_557 = tpu.memref_squeeze %dma_wait3A_556 : memref<1x1x1x8x128xf32, #tpu.memory_space<hbm>> -> memref<8x128xf32, #tpu.memory_space<hbm>>
        %dma_wait3A_558 = arith.constant 0 : i32
        %dma_wait3A_559 = arith.constant 0 : i32
        %dma_wait3A_560 = tpu.memref_slice %arg5[%sub3A_548, %dma_wait3A_549, %add3A, %dma_wait3A_558, %dma_wait3A_559] : memref<200x8x32x8x128xf32, #tpu.memory_space<hbm>> -> memref<1x1x1x8x128xf32, #tpu.memory_space<hbm>>
        %dma_wait3A_561 = tpu.memref_squeeze %dma_wait3A_560 : memref<1x1x1x8x128xf32, #tpu.memory_space<hbm>> -> memref<8x128xf32, #tpu.memory_space<hbm>>
        %dma_wait3A_562 = arith.constant 0 : i32
        %dma_wait3A_563 = arith.constant 0 : i32
        %dma_wait3A_564 = tpu.memref_slice %arg10[%rem3A_376, %dma_wait3A_562, %dma_wait3A_563] : memref<2x64x129xf32, #tpu.memory_space<vmem>> -> memref<1x8x128xf32, #tpu.memory_space<vmem>>
        %dma_wait3A_565 = tpu.memref_squeeze %dma_wait3A_564 : memref<1x8x128xf32, #tpu.memory_space<vmem>> -> memref<8x128xf32, #tpu.memory_space<vmem>>
        tpu.wait_dma2 semaphore(%arg12 : memref<!tpu.dma_semaphore, #tpu.memory_space<semaphore_mem>>) src(%dma_wait3A_565 : memref<8x128xf32, #tpu.memory_space<vmem>>) dst(%dma_wait3A_561 : memref<8x128xf32, #tpu.memory_space<hbm>>)
        %dma_wait3A_566 = arith.constant 1 : i32
        %dma_wait3A_567 = arith.constant 8 : i32
        %dma_wait3A_568 = arith.constant 0 : i32
        %dma_wait3A_569 = tpu.memref_slice %arg10[%rem3A_376, %dma_wait3A_567, %dma_wait3A_568] : memref<2x64x129xf32, #tpu.memory_space<vmem>> -> memref<1x8x128xf32, #tpu.memory_space<vmem>>
        %dma_wait3A_570 = tpu.memref_squeeze %dma_wait3A_569 : memref<1x8x128xf32, #tpu.memory_space<vmem>> -> memref<8x128xf32, #tpu.memory_space<vmem>>
        %dma_wait3A_571 = arith.constant 0 : i32
        %dma_wait3A_572 = arith.constant 0 : i32
        %dma_wait3A_573 = tpu.memref_slice %arg5[%sub3A_548, %dma_wait3A_566, %add3A, %dma_wait3A_571, %dma_wait3A_572] : memref<200x8x32x8x128xf32, #tpu.memory_space<hbm>> -> memref<1x1x1x8x128xf32, #tpu.memory_space<hbm>>
        %dma_wait3A_574 = tpu.memref_squeeze %dma_wait3A_573 : memref<1x1x1x8x128xf32, #tpu.memory_space<hbm>> -> memref<8x128xf32, #tpu.memory_space<hbm>>
        %dma_wait3A_575 = arith.constant 0 : i32
        %dma_wait3A_576 = arith.constant 0 : i32
        %dma_wait3A_577 = tpu.memref_slice %arg5[%sub3A_548, %dma_wait3A_566, %add3A, %dma_wait3A_575, %dma_wait3A_576] : memref<200x8x32x8x128xf32, #tpu.memory_space<hbm>> -> memref<1x1x1x8x128xf32, #tpu.memory_space<hbm>>
        %dma_wait3A_578 = tpu.memref_squeeze %dma_wait3A_577 : memref<1x1x1x8x128xf32, #tpu.memory_space<hbm>> -> memref<8x128xf32, #tpu.memory_space<hbm>>
        %dma_wait3A_579 = arith.constant 8 : i32
        %dma_wait3A_580 = arith.constant 0 : i32
        %dma_wait3A_581 = tpu.memref_slice %arg10[%rem3A_376, %dma_wait3A_579, %dma_wait3A_580] : memref<2x64x129xf32, #tpu.memory_space<vmem>> -> memref<1x8x128xf32, #tpu.memory_space<vmem>>
        %dma_wait3A_582 = tpu.memref_squeeze %dma_wait3A_581 : memref<1x8x128xf32, #tpu.memory_space<vmem>> -> memref<8x128xf32, #tpu.memory_space<vmem>>
        tpu.wait_dma2 semaphore(%arg12 : memref<!tpu.dma_semaphore, #tpu.memory_space<semaphore_mem>>) src(%dma_wait3A_582 : memref<8x128xf32, #tpu.memory_space<vmem>>) dst(%dma_wait3A_578 : memref<8x128xf32, #tpu.memory_space<hbm>>)
        %dma_wait3A_583 = arith.constant 2 : i32
        %dma_wait3A_584 = arith.constant 16 : i32
        %dma_wait3A_585 = arith.constant 0 : i32
        %dma_wait3A_586 = tpu.memref_slice %arg10[%rem3A_376, %dma_wait3A_584, %dma_wait3A_585] : memref<2x64x129xf32, #tpu.memory_space<vmem>> -> memref<1x8x128xf32, #tpu.memory_space<vmem>>
        %dma_wait3A_587 = tpu.memref_squeeze %dma_wait3A_586 : memref<1x8x128xf32, #tpu.memory_space<vmem>> -> memref<8x128xf32, #tpu.memory_space<vmem>>
        %dma_wait3A_588 = arith.constant 0 : i32
        %dma_wait3A_589 = arith.constant 0 : i32
        %dma_wait3A_590 = tpu.memref_slice %arg5[%sub3A_548, %dma_wait3A_583, %add3A, %dma_wait3A_588, %dma_wait3A_589] : memref<200x8x32x8x128xf32, #tpu.memory_space<hbm>> -> memref<1x1x1x8x128xf32, #tpu.memory_space<hbm>>
        %dma_wait3A_591 = tpu.memref_squeeze %dma_wait3A_590 : memref<1x1x1x8x128xf32, #tpu.memory_space<hbm>> -> memref<8x128xf32, #tpu.memory_space<hbm>>
        %dma_wait3A_592 = arith.constant 0 : i32
        %dma_wait3A_593 = arith.constant 0 : i32
        %dma_wait3A_594 = tpu.memref_slice %arg5[%sub3A_548, %dma_wait3A_583, %add3A, %dma_wait3A_592, %dma_wait3A_593] : memref<200x8x32x8x128xf32, #tpu.memory_space<hbm>> -> memref<1x1x1x8x128xf32, #tpu.memory_space<hbm>>
        %dma_wait3A_595 = tpu.memref_squeeze %dma_wait3A_594 : memref<1x1x1x8x128xf32, #tpu.memory_space<hbm>> -> memref<8x128xf32, #tpu.memory_space<hbm>>
        %dma_wait3A_596 = arith.constant 16 : i32
        %dma_wait3A_597 = arith.constant 0 : i32
        %dma_wait3A_598 = tpu.memref_slice %arg10[%rem3A_376, %dma_wait3A_596, %dma_wait3A_597] : memref<2x64x129xf32, #tpu.memory_space<vmem>> -> memref<1x8x128xf32, #tpu.memory_space<vmem>>
        %dma_wait3A_599 = tpu.memref_squeeze %dma_wait3A_598 : memref<1x8x128xf32, #tpu.memory_space<vmem>> -> memref<8x128xf32, #tpu.memory_space<vmem>>
        tpu.wait_dma2 semaphore(%arg12 : memref<!tpu.dma_semaphore, #tpu.memory_space<semaphore_mem>>) src(%dma_wait3A_599 : memref<8x128xf32, #tpu.memory_space<vmem>>) dst(%dma_wait3A_595 : memref<8x128xf32, #tpu.memory_space<hbm>>)
        %dma_wait3A_600 = arith.constant 3 : i32
        %dma_wait3A_601 = arith.constant 24 : i32
        %dma_wait3A_602 = arith.constant 0 : i32
        %dma_wait3A_603 = tpu.memref_slice %arg10[%rem3A_376, %dma_wait3A_601, %dma_wait3A_602] : memref<2x64x129xf32, #tpu.memory_space<vmem>> -> memref<1x8x128xf32, #tpu.memory_space<vmem>>
        %dma_wait3A_604 = tpu.memref_squeeze %dma_wait3A_603 : memref<1x8x128xf32, #tpu.memory_space<vmem>> -> memref<8x128xf32, #tpu.memory_space<vmem>>
        %dma_wait3A_605 = arith.constant 0 : i32
        %dma_wait3A_606 = arith.constant 0 : i32
        %dma_wait3A_607 = tpu.memref_slice %arg5[%sub3A_548, %dma_wait3A_600, %add3A, %dma_wait3A_605, %dma_wait3A_606] : memref<200x8x32x8x128xf32, #tpu.memory_space<hbm>> -> memref<1x1x1x8x128xf32, #tpu.memory_space<hbm>>
        %dma_wait3A_608 = tpu.memref_squeeze %dma_wait3A_607 : memref<1x1x1x8x128xf32, #tpu.memory_space<hbm>> -> memref<8x128xf32, #tpu.memory_space<hbm>>
        %dma_wait3A_609 = arith.constant 0 : i32
        %dma_wait3A_610 = arith.constant 0 : i32
        %dma_wait3A_611 = tpu.memref_slice %arg5[%sub3A_548, %dma_wait3A_600, %add3A, %dma_wait3A_609, %dma_wait3A_610] : memref<200x8x32x8x128xf32, #tpu.memory_space<hbm>> -> memref<1x1x1x8x128xf32, #tpu.memory_space<hbm>>
        %dma_wait3A_612 = tpu.memref_squeeze %dma_wait3A_611 : memref<1x1x1x8x128xf32, #tpu.memory_space<hbm>> -> memref<8x128xf32, #tpu.memory_space<hbm>>
        %dma_wait3A_613 = arith.constant 24 : i32
        %dma_wait3A_614 = arith.constant 0 : i32
        %dma_wait3A_615 = tpu.memref_slice %arg10[%rem3A_376, %dma_wait3A_613, %dma_wait3A_614] : memref<2x64x129xf32, #tpu.memory_space<vmem>> -> memref<1x8x128xf32, #tpu.memory_space<vmem>>
        %dma_wait3A_616 = tpu.memref_squeeze %dma_wait3A_615 : memref<1x8x128xf32, #tpu.memory_space<vmem>> -> memref<8x128xf32, #tpu.memory_space<vmem>>
        tpu.wait_dma2 semaphore(%arg12 : memref<!tpu.dma_semaphore, #tpu.memory_space<semaphore_mem>>) src(%dma_wait3A_616 : memref<8x128xf32, #tpu.memory_space<vmem>>) dst(%dma_wait3A_612 : memref<8x128xf32, #tpu.memory_space<hbm>>)
        %dma_wait3A_617 = arith.constant 4 : i32
        %dma_wait3A_618 = arith.constant 32 : i32
        %dma_wait3A_619 = arith.constant 0 : i32
        %dma_wait3A_620 = tpu.memref_slice %arg10[%rem3A_376, %dma_wait3A_618, %dma_wait3A_619] : memref<2x64x129xf32, #tpu.memory_space<vmem>> -> memref<1x8x128xf32, #tpu.memory_space<vmem>>
        %dma_wait3A_621 = tpu.memref_squeeze %dma_wait3A_620 : memref<1x8x128xf32, #tpu.memory_space<vmem>> -> memref<8x128xf32, #tpu.memory_space<vmem>>
        %dma_wait3A_622 = arith.constant 0 : i32
        %dma_wait3A_623 = arith.constant 0 : i32
        %dma_wait3A_624 = tpu.memref_slice %arg5[%sub3A_548, %dma_wait3A_617, %add3A, %dma_wait3A_622, %dma_wait3A_623] : memref<200x8x32x8x128xf32, #tpu.memory_space<hbm>> -> memref<1x1x1x8x128xf32, #tpu.memory_space<hbm>>
        %dma_wait3A_625 = tpu.memref_squeeze %dma_wait3A_624 : memref<1x1x1x8x128xf32, #tpu.memory_space<hbm>> -> memref<8x128xf32, #tpu.memory_space<hbm>>
        %dma_wait3A_626 = arith.constant 0 : i32
        %dma_wait3A_627 = arith.constant 0 : i32
        %dma_wait3A_628 = tpu.memref_slice %arg5[%sub3A_548, %dma_wait3A_617, %add3A, %dma_wait3A_626, %dma_wait3A_627] : memref<200x8x32x8x128xf32, #tpu.memory_space<hbm>> -> memref<1x1x1x8x128xf32, #tpu.memory_space<hbm>>
        %dma_wait3A_629 = tpu.memref_squeeze %dma_wait3A_628 : memref<1x1x1x8x128xf32, #tpu.memory_space<hbm>> -> memref<8x128xf32, #tpu.memory_space<hbm>>
        %dma_wait3A_630 = arith.constant 32 : i32
        %dma_wait3A_631 = arith.constant 0 : i32
        %dma_wait3A_632 = tpu.memref_slice %arg10[%rem3A_376, %dma_wait3A_630, %dma_wait3A_631] : memref<2x64x129xf32, #tpu.memory_space<vmem>> -> memref<1x8x128xf32, #tpu.memory_space<vmem>>
        %dma_wait3A_633 = tpu.memref_squeeze %dma_wait3A_632 : memref<1x8x128xf32, #tpu.memory_space<vmem>> -> memref<8x128xf32, #tpu.memory_space<vmem>>
        tpu.wait_dma2 semaphore(%arg12 : memref<!tpu.dma_semaphore, #tpu.memory_space<semaphore_mem>>) src(%dma_wait3A_633 : memref<8x128xf32, #tpu.memory_space<vmem>>) dst(%dma_wait3A_629 : memref<8x128xf32, #tpu.memory_space<hbm>>)
        %dma_wait3A_634 = arith.constant 5 : i32
        %dma_wait3A_635 = arith.constant 40 : i32
        %dma_wait3A_636 = arith.constant 0 : i32
        %dma_wait3A_637 = tpu.memref_slice %arg10[%rem3A_376, %dma_wait3A_635, %dma_wait3A_636] : memref<2x64x129xf32, #tpu.memory_space<vmem>> -> memref<1x8x128xf32, #tpu.memory_space<vmem>>
        %dma_wait3A_638 = tpu.memref_squeeze %dma_wait3A_637 : memref<1x8x128xf32, #tpu.memory_space<vmem>> -> memref<8x128xf32, #tpu.memory_space<vmem>>
        %dma_wait3A_639 = arith.constant 0 : i32
        %dma_wait3A_640 = arith.constant 0 : i32
        %dma_wait3A_641 = tpu.memref_slice %arg5[%sub3A_548, %dma_wait3A_634, %add3A, %dma_wait3A_639, %dma_wait3A_640] : memref<200x8x32x8x128xf32, #tpu.memory_space<hbm>> -> memref<1x1x1x8x128xf32, #tpu.memory_space<hbm>>
        %dma_wait3A_642 = tpu.memref_squeeze %dma_wait3A_641 : memref<1x1x1x8x128xf32, #tpu.memory_space<hbm>> -> memref<8x128xf32, #tpu.memory_space<hbm>>
        %dma_wait3A_643 = arith.constant 0 : i32
        %dma_wait3A_644 = arith.constant 0 : i32
        %dma_wait3A_645 = tpu.memref_slice %arg5[%sub3A_548, %dma_wait3A_634, %add3A, %dma_wait3A_643, %dma_wait3A_644] : memref<200x8x32x8x128xf32, #tpu.memory_space<hbm>> -> memref<1x1x1x8x128xf32, #tpu.memory_space<hbm>>
        %dma_wait3A_646 = tpu.memref_squeeze %dma_wait3A_645 : memref<1x1x1x8x128xf32, #tpu.memory_space<hbm>> -> memref<8x128xf32, #tpu.memory_space<hbm>>
        %dma_wait3A_647 = arith.constant 40 : i32
        %dma_wait3A_648 = arith.constant 0 : i32
        %dma_wait3A_649 = tpu.memref_slice %arg10[%rem3A_376, %dma_wait3A_647, %dma_wait3A_648] : memref<2x64x129xf32, #tpu.memory_space<vmem>> -> memref<1x8x128xf32, #tpu.memory_space<vmem>>
        %dma_wait3A_650 = tpu.memref_squeeze %dma_wait3A_649 : memref<1x8x128xf32, #tpu.memory_space<vmem>> -> memref<8x128xf32, #tpu.memory_space<vmem>>
        tpu.wait_dma2 semaphore(%arg12 : memref<!tpu.dma_semaphore, #tpu.memory_space<semaphore_mem>>) src(%dma_wait3A_650 : memref<8x128xf32, #tpu.memory_space<vmem>>) dst(%dma_wait3A_646 : memref<8x128xf32, #tpu.memory_space<hbm>>)
        %dma_wait3A_651 = arith.constant 6 : i32
        %dma_wait3A_652 = arith.constant 48 : i32
        %dma_wait3A_653 = arith.constant 0 : i32
        %dma_wait3A_654 = tpu.memref_slice %arg10[%rem3A_376, %dma_wait3A_652, %dma_wait3A_653] : memref<2x64x129xf32, #tpu.memory_space<vmem>> -> memref<1x8x128xf32, #tpu.memory_space<vmem>>
        %dma_wait3A_655 = tpu.memref_squeeze %dma_wait3A_654 : memref<1x8x128xf32, #tpu.memory_space<vmem>> -> memref<8x128xf32, #tpu.memory_space<vmem>>
        %dma_wait3A_656 = arith.constant 0 : i32
        %dma_wait3A_657 = arith.constant 0 : i32
        %dma_wait3A_658 = tpu.memref_slice %arg5[%sub3A_548, %dma_wait3A_651, %add3A, %dma_wait3A_656, %dma_wait3A_657] : memref<200x8x32x8x128xf32, #tpu.memory_space<hbm>> -> memref<1x1x1x8x128xf32, #tpu.memory_space<hbm>>
        %dma_wait3A_659 = tpu.memref_squeeze %dma_wait3A_658 : memref<1x1x1x8x128xf32, #tpu.memory_space<hbm>> -> memref<8x128xf32, #tpu.memory_space<hbm>>
        %dma_wait3A_660 = arith.constant 0 : i32
        %dma_wait3A_661 = arith.constant 0 : i32
        %dma_wait3A_662 = tpu.memref_slice %arg5[%sub3A_548, %dma_wait3A_651, %add3A, %dma_wait3A_660, %dma_wait3A_661] : memref<200x8x32x8x128xf32, #tpu.memory_space<hbm>> -> memref<1x1x1x8x128xf32, #tpu.memory_space<hbm>>
        %dma_wait3A_663 = tpu.memref_squeeze %dma_wait3A_662 : memref<1x1x1x8x128xf32, #tpu.memory_space<hbm>> -> memref<8x128xf32, #tpu.memory_space<hbm>>
        %dma_wait3A_664 = arith.constant 48 : i32
        %dma_wait3A_665 = arith.constant 0 : i32
        %dma_wait3A_666 = tpu.memref_slice %arg10[%rem3A_376, %dma_wait3A_664, %dma_wait3A_665] : memref<2x64x129xf32, #tpu.memory_space<vmem>> -> memref<1x8x128xf32, #tpu.memory_space<vmem>>
        %dma_wait3A_667 = tpu.memref_squeeze %dma_wait3A_666 : memref<1x8x128xf32, #tpu.memory_space<vmem>> -> memref<8x128xf32, #tpu.memory_space<vmem>>
        tpu.wait_dma2 semaphore(%arg12 : memref<!tpu.dma_semaphore, #tpu.memory_space<semaphore_mem>>) src(%dma_wait3A_667 : memref<8x128xf32, #tpu.memory_space<vmem>>) dst(%dma_wait3A_663 : memref<8x128xf32, #tpu.memory_space<hbm>>)
        %dma_wait3A_668 = arith.constant 7 : i32
        %dma_wait3A_669 = arith.constant 56 : i32
        %dma_wait3A_670 = arith.constant 0 : i32
        %dma_wait3A_671 = tpu.memref_slice %arg10[%rem3A_376, %dma_wait3A_669, %dma_wait3A_670] : memref<2x64x129xf32, #tpu.memory_space<vmem>> -> memref<1x8x128xf32, #tpu.memory_space<vmem>>
        %dma_wait3A_672 = tpu.memref_squeeze %dma_wait3A_671 : memref<1x8x128xf32, #tpu.memory_space<vmem>> -> memref<8x128xf32, #tpu.memory_space<vmem>>
        %dma_wait3A_673 = arith.constant 0 : i32
        %dma_wait3A_674 = arith.constant 0 : i32
        %dma_wait3A_675 = tpu.memref_slice %arg5[%sub3A_548, %dma_wait3A_668, %add3A, %dma_wait3A_673, %dma_wait3A_674] : memref<200x8x32x8x128xf32, #tpu.memory_space<hbm>> -> memref<1x1x1x8x128xf32, #tpu.memory_space<hbm>>
        %dma_wait3A_676 = tpu.memref_squeeze %dma_wait3A_675 : memref<1x1x1x8x128xf32, #tpu.memory_space<hbm>> -> memref<8x128xf32, #tpu.memory_space<hbm>>
        %dma_wait3A_677 = arith.constant 0 : i32
        %dma_wait3A_678 = arith.constant 0 : i32
        %dma_wait3A_679 = tpu.memref_slice %arg5[%sub3A_548, %dma_wait3A_668, %add3A, %dma_wait3A_677, %dma_wait3A_678] : memref<200x8x32x8x128xf32, #tpu.memory_space<hbm>> -> memref<1x1x1x8x128xf32, #tpu.memory_space<hbm>>
        %dma_wait3A_680 = tpu.memref_squeeze %dma_wait3A_679 : memref<1x1x1x8x128xf32, #tpu.memory_space<hbm>> -> memref<8x128xf32, #tpu.memory_space<hbm>>
        %dma_wait3A_681 = arith.constant 56 : i32
        %dma_wait3A_682 = arith.constant 0 : i32
        %dma_wait3A_683 = tpu.memref_slice %arg10[%rem3A_376, %dma_wait3A_681, %dma_wait3A_682] : memref<2x64x129xf32, #tpu.memory_space<vmem>> -> memref<1x8x128xf32, #tpu.memory_space<vmem>>
        %dma_wait3A_684 = tpu.memref_squeeze %dma_wait3A_683 : memref<1x8x128xf32, #tpu.memory_space<vmem>> -> memref<8x128xf32, #tpu.memory_space<vmem>>
        tpu.wait_dma2 semaphore(%arg12 : memref<!tpu.dma_semaphore, #tpu.memory_space<semaphore_mem>>) src(%dma_wait3A_684 : memref<8x128xf32, #tpu.memory_space<vmem>>) dst(%dma_wait3A_680 : memref<8x128xf32, #tpu.memory_space<hbm>>)
      } else {
      }
      %get3A = arith.index_cast %scan3A_375 : i32 to index
      %get3A_395 = arith.constant 0 : index
      %get3A_396 = tpu.vector_load %arg8[%get3A, %get3A_395] {strides = array<i32>} : memref<200x64xf32, #tpu.memory_space<vmem>>, vector<16xf32>,
      %get3A_397 = arith.index_cast %scan3A_375 : i32 to index
      %get3A_398 = arith.constant 16 : index
      %get3A_399 = tpu.vector_load %arg8[%get3A_397, %get3A_398] {strides = array<i32>} : memref<200x64xf32, #tpu.memory_space<vmem>>, vector<16xf32>,
      %get3A_400 = arith.index_cast %scan3A_375 : i32 to index
      %get3A_401 = arith.constant 32 : index
      %get3A_402 = tpu.vector_load %arg8[%get3A_400, %get3A_401] {strides = array<i32>} : memref<200x64xf32, #tpu.memory_space<vmem>>, vector<16xf32>,
      %get3A_403 = arith.index_cast %scan3A_375 : i32 to index
      %get3A_404 = arith.constant 48 : index
      %get3A_405 = tpu.vector_load %arg8[%get3A_403, %get3A_404] {strides = array<i32>} : memref<200x64xf32, #tpu.memory_space<vmem>>, vector<16xf32>,
      %scan3A_406 = arith.constant 0 : i32
      %scan3A_407 = arith.constant 0 : i32
      %scan3A_408 = arith.constant 128 : i32
      %scan3A_409 = arith.addi %scan3A_407, %scan3A_408 : i32
      %scan3A_410 = arith.constant 1 : i32
      scf.for %scan3A_548 = %scan3A_407 to %scan3A_409 step %scan3A_410  : i32 {
        %broadcast_in_dim3A = vector.broadcast %scan3A_548 : i32 to vector<16xi32>
        %get3A_549 = arith.index_cast %rem3A_376 : i32 to index
        %get3A_550 = arith.index_cast %scan3A_548 : i32 to index
        %get3A_551 = arith.constant 0 : index
        %get3A_552 = tpu.vector_load %arg9[%get3A_549, %get3A_550, %get3A_551] {strides = array<i32>} : memref<2x128x64xf32, #tpu.memory_space<vmem>>, vector<16xf32>,
        %add3A_553 = arith.addf %get3A_552, %get3A_396 : vector<16xf32>
        %scatter3A = arith.constant 0 : i32
        %scatter3A_554 = arith.constant 0 : i32
        %scatter3A_555 = tpu.memref_slice %arg10[%rem3A_376, %scatter3A, %scatter3A_554] : memref<2x64x129xf32, #tpu.memory_space<vmem>> -> memref<1x64x129xf32, #tpu.memory_space<vmem>>
        %scatter3A_556 = tpu.memref_squeeze %scatter3A_555 : memref<1x64x129xf32, #tpu.memory_space<vmem>> -> memref<64x129xf32, #tpu.memory_space<vmem>>
        tpu.vector_store_idx %scatter3A_556[%add3A_42, %broadcast_in_dim3A], %add3A_553 : memref<64x129xf32, #tpu.memory_space<vmem>>[vector<16xi32>, vector<16xi32>], vector<16xf32>,
        %get3A_557 = arith.index_cast %rem3A_376 : i32 to index
        %get3A_558 = arith.index_cast %scan3A_548 : i32 to index
        %get3A_559 = arith.constant 16 : index
        %get3A_560 = tpu.vector_load %arg9[%get3A_557, %get3A_558, %get3A_559] {strides = array<i32>} : memref<2x128x64xf32, #tpu.memory_space<vmem>>, vector<16xf32>,
        %add3A_561 = arith.addf %get3A_560, %get3A_399 : vector<16xf32>
        %scatter3A_562 = arith.constant 0 : i32
        %scatter3A_563 = arith.constant 0 : i32
        %scatter3A_564 = tpu.memref_slice %arg10[%rem3A_376, %scatter3A_562, %scatter3A_563] : memref<2x64x129xf32, #tpu.memory_space<vmem>> -> memref<1x64x129xf32, #tpu.memory_space<vmem>>
        %scatter3A_565 = tpu.memref_squeeze %scatter3A_564 : memref<1x64x129xf32, #tpu.memory_space<vmem>> -> memref<64x129xf32, #tpu.memory_space<vmem>>
        tpu.vector_store_idx %scatter3A_565[%add3A_46, %broadcast_in_dim3A], %add3A_561 : memref<64x129xf32, #tpu.memory_space<vmem>>[vector<16xi32>, vector<16xi32>], vector<16xf32>,
        %get3A_566 = arith.index_cast %rem3A_376 : i32 to index
        %get3A_567 = arith.index_cast %scan3A_548 : i32 to index
        %get3A_568 = arith.constant 32 : index
        %get3A_569 = tpu.vector_load %arg9[%get3A_566, %get3A_567, %get3A_568] {strides = array<i32>} : memref<2x128x64xf32, #tpu.memory_space<vmem>>, vector<16xf32>,
        %add3A_570 = arith.addf %get3A_569, %get3A_402 : vector<16xf32>
        %scatter3A_571 = arith.constant 0 : i32
        %scatter3A_572 = arith.constant 0 : i32
        %scatter3A_573 = tpu.memref_slice %arg10[%rem3A_376, %scatter3A_571, %scatter3A_572] : memref<2x64x129xf32, #tpu.memory_space<vmem>> -> memref<1x64x129xf32, #tpu.memory_space<vmem>>
        %scatter3A_574 = tpu.memref_squeeze %scatter3A_573 : memref<1x64x129xf32, #tpu.memory_space<vmem>> -> memref<64x129xf32, #tpu.memory_space<vmem>>
        tpu.vector_store_idx %scatter3A_574[%add3A_50, %broadcast_in_dim3A], %add3A_570 : memref<64x129xf32, #tpu.memory_space<vmem>>[vector<16xi32>, vector<16xi32>], vector<16xf32>,
        %get3A_575 = arith.index_cast %rem3A_376 : i32 to index
        %get3A_576 = arith.index_cast %scan3A_548 : i32 to index
        %get3A_577 = arith.constant 48 : index
        %get3A_578 = tpu.vector_load %arg9[%get3A_575, %get3A_576, %get3A_577] {strides = array<i32>} : memref<2x128x64xf32, #tpu.memory_space<vmem>>, vector<16xf32>,
        %add3A_579 = arith.addf %get3A_578, %get3A_405 : vector<16xf32>
        %scatter3A_580 = arith.constant 0 : i32
        %scatter3A_581 = arith.constant 0 : i32
        %scatter3A_582 = tpu.memref_slice %arg10[%rem3A_376, %scatter3A_580, %scatter3A_581] : memref<2x64x129xf32, #tpu.memory_space<vmem>> -> memref<1x64x129xf32, #tpu.memory_space<vmem>>
        %scatter3A_583 = tpu.memref_squeeze %scatter3A_582 : memref<1x64x129xf32, #tpu.memory_space<vmem>> -> memref<64x129xf32, #tpu.memory_space<vmem>>
        tpu.vector_store_idx %scatter3A_583[%add3A_54, %broadcast_in_dim3A], %add3A_579 : memref<64x129xf32, #tpu.memory_space<vmem>>[vector<16xi32>, vector<16xi32>], vector<16xf32>,
      }
      %scan3A_411 = arith.constant 128 : i32
      %dma_start3A_412 = arith.constant 0 : i32
      %dma_start3A_413 = arith.constant 0 : i32
      %dma_start3A_414 = arith.constant 0 : i32
      %dma_start3A_415 = tpu.memref_slice %arg10[%rem3A_376, %dma_start3A_413, %dma_start3A_414] : memref<2x64x129xf32, #tpu.memory_space<vmem>> -> memref<1x8x128xf32, #tpu.memory_space<vmem>>
      %dma_start3A_416 = tpu.memref_squeeze %dma_start3A_415 : memref<1x8x128xf32, #tpu.memory_space<vmem>> -> memref<8x128xf32, #tpu.memory_space<vmem>>
      %dma_start3A_417 = arith.constant 0 : i32
      %dma_start3A_418 = arith.constant 0 : i32
      %dma_start3A_419 = tpu.memref_slice %arg5[%scan3A_375, %dma_start3A_412, %add3A, %dma_start3A_417, %dma_start3A_418] : memref<200x8x32x8x128xf32, #tpu.memory_space<hbm>> -> memref<1x1x1x8x128xf32, #tpu.memory_space<hbm>>
      %dma_start3A_420 = tpu.memref_squeeze %dma_start3A_419 : memref<1x1x1x8x128xf32, #tpu.memory_space<hbm>> -> memref<8x128xf32, #tpu.memory_space<hbm>>
      %dma_start3A_421 = arith.constant 0 : i32
      %dma_start3A_422 = arith.constant 0 : i32
      %dma_start3A_423 = tpu.memref_slice %arg5[%scan3A_375, %dma_start3A_412, %add3A, %dma_start3A_421, %dma_start3A_422] : memref<200x8x32x8x128xf32, #tpu.memory_space<hbm>> -> memref<1x1x1x8x128xf32, #tpu.memory_space<hbm>>
      %dma_start3A_424 = tpu.memref_squeeze %dma_start3A_423 : memref<1x1x1x8x128xf32, #tpu.memory_space<hbm>> -> memref<8x128xf32, #tpu.memory_space<hbm>>
      %dma_start3A_425 = arith.constant 0 : i32
      %dma_start3A_426 = arith.constant 0 : i32
      %dma_start3A_427 = tpu.memref_slice %arg10[%rem3A_376, %dma_start3A_425, %dma_start3A_426] : memref<2x64x129xf32, #tpu.memory_space<vmem>> -> memref<1x8x128xf32, #tpu.memory_space<vmem>>
      %dma_start3A_428 = tpu.memref_squeeze %dma_start3A_427 : memref<1x8x128xf32, #tpu.memory_space<vmem>> -> memref<8x128xf32, #tpu.memory_space<vmem>>
      tpu.enqueue_dma source(%dma_start3A_428 : memref<8x128xf32, #tpu.memory_space<vmem>>) target(%dma_start3A_424 : memref<8x128xf32, #tpu.memory_space<hbm>>) target_semaphore(%arg12 : memref<!tpu.dma_semaphore, #tpu.memory_space<semaphore_mem>>)
      %dma_start3A_429 = arith.constant 1 : i32
      %dma_start3A_430 = arith.constant 8 : i32
      %dma_start3A_431 = arith.constant 0 : i32
      %dma_start3A_432 = tpu.memref_slice %arg10[%rem3A_376, %dma_start3A_430, %dma_start3A_431] : memref<2x64x129xf32, #tpu.memory_space<vmem>> -> memref<1x8x128xf32, #tpu.memory_space<vmem>>
      %dma_start3A_433 = tpu.memref_squeeze %dma_start3A_432 : memref<1x8x128xf32, #tpu.memory_space<vmem>> -> memref<8x128xf32, #tpu.memory_space<vmem>>
      %dma_start3A_434 = arith.constant 0 : i32
      %dma_start3A_435 = arith.constant 0 : i32
      %dma_start3A_436 = tpu.memref_slice %arg5[%scan3A_375, %dma_start3A_429, %add3A, %dma_start3A_434, %dma_start3A_435] : memref<200x8x32x8x128xf32, #tpu.memory_space<hbm>> -> memref<1x1x1x8x128xf32, #tpu.memory_space<hbm>>
      %dma_start3A_437 = tpu.memref_squeeze %dma_start3A_436 : memref<1x1x1x8x128xf32, #tpu.memory_space<hbm>> -> memref<8x128xf32, #tpu.memory_space<hbm>>
      %dma_start3A_438 = arith.constant 0 : i32
      %dma_start3A_439 = arith.constant 0 : i32
      %dma_start3A_440 = tpu.memref_slice %arg5[%scan3A_375, %dma_start3A_429, %add3A, %dma_start3A_438, %dma_start3A_439] : memref<200x8x32x8x128xf32, #tpu.memory_space<hbm>> -> memref<1x1x1x8x128xf32, #tpu.memory_space<hbm>>
      %dma_start3A_441 = tpu.memref_squeeze %dma_start3A_440 : memref<1x1x1x8x128xf32, #tpu.memory_space<hbm>> -> memref<8x128xf32, #tpu.memory_space<hbm>>
      %dma_start3A_442 = arith.constant 8 : i32
      %dma_start3A_443 = arith.constant 0 : i32
      %dma_start3A_444 = tpu.memref_slice %arg10[%rem3A_376, %dma_start3A_442, %dma_start3A_443] : memref<2x64x129xf32, #tpu.memory_space<vmem>> -> memref<1x8x128xf32, #tpu.memory_space<vmem>>
      %dma_start3A_445 = tpu.memref_squeeze %dma_start3A_444 : memref<1x8x128xf32, #tpu.memory_space<vmem>> -> memref<8x128xf32, #tpu.memory_space<vmem>>
      tpu.enqueue_dma source(%dma_start3A_445 : memref<8x128xf32, #tpu.memory_space<vmem>>) target(%dma_start3A_441 : memref<8x128xf32, #tpu.memory_space<hbm>>) target_semaphore(%arg12 : memref<!tpu.dma_semaphore, #tpu.memory_space<semaphore_mem>>)
      %dma_start3A_446 = arith.constant 2 : i32
      %dma_start3A_447 = arith.constant 16 : i32
      %dma_start3A_448 = arith.constant 0 : i32
      %dma_start3A_449 = tpu.memref_slice %arg10[%rem3A_376, %dma_start3A_447, %dma_start3A_448] : memref<2x64x129xf32, #tpu.memory_space<vmem>> -> memref<1x8x128xf32, #tpu.memory_space<vmem>>
      %dma_start3A_450 = tpu.memref_squeeze %dma_start3A_449 : memref<1x8x128xf32, #tpu.memory_space<vmem>> -> memref<8x128xf32, #tpu.memory_space<vmem>>
      %dma_start3A_451 = arith.constant 0 : i32
      %dma_start3A_452 = arith.constant 0 : i32
      %dma_start3A_453 = tpu.memref_slice %arg5[%scan3A_375, %dma_start3A_446, %add3A, %dma_start3A_451, %dma_start3A_452] : memref<200x8x32x8x128xf32, #tpu.memory_space<hbm>> -> memref<1x1x1x8x128xf32, #tpu.memory_space<hbm>>
      %dma_start3A_454 = tpu.memref_squeeze %dma_start3A_453 : memref<1x1x1x8x128xf32, #tpu.memory_space<hbm>> -> memref<8x128xf32, #tpu.memory_space<hbm>>
      %dma_start3A_455 = arith.constant 0 : i32
      %dma_start3A_456 = arith.constant 0 : i32
      %dma_start3A_457 = tpu.memref_slice %arg5[%scan3A_375, %dma_start3A_446, %add3A, %dma_start3A_455, %dma_start3A_456] : memref<200x8x32x8x128xf32, #tpu.memory_space<hbm>> -> memref<1x1x1x8x128xf32, #tpu.memory_space<hbm>>
      %dma_start3A_458 = tpu.memref_squeeze %dma_start3A_457 : memref<1x1x1x8x128xf32, #tpu.memory_space<hbm>> -> memref<8x128xf32, #tpu.memory_space<hbm>>
      %dma_start3A_459 = arith.constant 16 : i32
      %dma_start3A_460 = arith.constant 0 : i32
      %dma_start3A_461 = tpu.memref_slice %arg10[%rem3A_376, %dma_start3A_459, %dma_start3A_460] : memref<2x64x129xf32, #tpu.memory_space<vmem>> -> memref<1x8x128xf32, #tpu.memory_space<vmem>>
      %dma_start3A_462 = tpu.memref_squeeze %dma_start3A_461 : memref<1x8x128xf32, #tpu.memory_space<vmem>> -> memref<8x128xf32, #tpu.memory_space<vmem>>
      tpu.enqueue_dma source(%dma_start3A_462 : memref<8x128xf32, #tpu.memory_space<vmem>>) target(%dma_start3A_458 : memref<8x128xf32, #tpu.memory_space<hbm>>) target_semaphore(%arg12 : memref<!tpu.dma_semaphore, #tpu.memory_space<semaphore_mem>>)
      %dma_start3A_463 = arith.constant 3 : i32
      %dma_start3A_464 = arith.constant 24 : i32
      %dma_start3A_465 = arith.constant 0 : i32
      %dma_start3A_466 = tpu.memref_slice %arg10[%rem3A_376, %dma_start3A_464, %dma_start3A_465] : memref<2x64x129xf32, #tpu.memory_space<vmem>> -> memref<1x8x128xf32, #tpu.memory_space<vmem>>
      %dma_start3A_467 = tpu.memref_squeeze %dma_start3A_466 : memref<1x8x128xf32, #tpu.memory_space<vmem>> -> memref<8x128xf32, #tpu.memory_space<vmem>>
      %dma_start3A_468 = arith.constant 0 : i32
      %dma_start3A_469 = arith.constant 0 : i32
      %dma_start3A_470 = tpu.memref_slice %arg5[%scan3A_375, %dma_start3A_463, %add3A, %dma_start3A_468, %dma_start3A_469] : memref<200x8x32x8x128xf32, #tpu.memory_space<hbm>> -> memref<1x1x1x8x128xf32, #tpu.memory_space<hbm>>
      %dma_start3A_471 = tpu.memref_squeeze %dma_start3A_470 : memref<1x1x1x8x128xf32, #tpu.memory_space<hbm>> -> memref<8x128xf32, #tpu.memory_space<hbm>>
      %dma_start3A_472 = arith.constant 0 : i32
      %dma_start3A_473 = arith.constant 0 : i32
      %dma_start3A_474 = tpu.memref_slice %arg5[%scan3A_375, %dma_start3A_463, %add3A, %dma_start3A_472, %dma_start3A_473] : memref<200x8x32x8x128xf32, #tpu.memory_space<hbm>> -> memref<1x1x1x8x128xf32, #tpu.memory_space<hbm>>
      %dma_start3A_475 = tpu.memref_squeeze %dma_start3A_474 : memref<1x1x1x8x128xf32, #tpu.memory_space<hbm>> -> memref<8x128xf32, #tpu.memory_space<hbm>>
      %dma_start3A_476 = arith.constant 24 : i32
      %dma_start3A_477 = arith.constant 0 : i32
      %dma_start3A_478 = tpu.memref_slice %arg10[%rem3A_376, %dma_start3A_476, %dma_start3A_477] : memref<2x64x129xf32, #tpu.memory_space<vmem>> -> memref<1x8x128xf32, #tpu.memory_space<vmem>>
      %dma_start3A_479 = tpu.memref_squeeze %dma_start3A_478 : memref<1x8x128xf32, #tpu.memory_space<vmem>> -> memref<8x128xf32, #tpu.memory_space<vmem>>
      tpu.enqueue_dma source(%dma_start3A_479 : memref<8x128xf32, #tpu.memory_space<vmem>>) target(%dma_start3A_475 : memref<8x128xf32, #tpu.memory_space<hbm>>) target_semaphore(%arg12 : memref<!tpu.dma_semaphore, #tpu.memory_space<semaphore_mem>>)
      %dma_start3A_480 = arith.constant 4 : i32
      %dma_start3A_481 = arith.constant 32 : i32
      %dma_start3A_482 = arith.constant 0 : i32
      %dma_start3A_483 = tpu.memref_slice %arg10[%rem3A_376, %dma_start3A_481, %dma_start3A_482] : memref<2x64x129xf32, #tpu.memory_space<vmem>> -> memref<1x8x128xf32, #tpu.memory_space<vmem>>
      %dma_start3A_484 = tpu.memref_squeeze %dma_start3A_483 : memref<1x8x128xf32, #tpu.memory_space<vmem>> -> memref<8x128xf32, #tpu.memory_space<vmem>>
      %dma_start3A_485 = arith.constant 0 : i32
      %dma_start3A_486 = arith.constant 0 : i32
      %dma_start3A_487 = tpu.memref_slice %arg5[%scan3A_375, %dma_start3A_480, %add3A, %dma_start3A_485, %dma_start3A_486] : memref<200x8x32x8x128xf32, #tpu.memory_space<hbm>> -> memref<1x1x1x8x128xf32, #tpu.memory_space<hbm>>
      %dma_start3A_488 = tpu.memref_squeeze %dma_start3A_487 : memref<1x1x1x8x128xf32, #tpu.memory_space<hbm>> -> memref<8x128xf32, #tpu.memory_space<hbm>>
      %dma_start3A_489 = arith.constant 0 : i32
      %dma_start3A_490 = arith.constant 0 : i32
      %dma_start3A_491 = tpu.memref_slice %arg5[%scan3A_375, %dma_start3A_480, %add3A, %dma_start3A_489, %dma_start3A_490] : memref<200x8x32x8x128xf32, #tpu.memory_space<hbm>> -> memref<1x1x1x8x128xf32, #tpu.memory_space<hbm>>
      %dma_start3A_492 = tpu.memref_squeeze %dma_start3A_491 : memref<1x1x1x8x128xf32, #tpu.memory_space<hbm>> -> memref<8x128xf32, #tpu.memory_space<hbm>>
      %dma_start3A_493 = arith.constant 32 : i32
      %dma_start3A_494 = arith.constant 0 : i32
      %dma_start3A_495 = tpu.memref_slice %arg10[%rem3A_376, %dma_start3A_493, %dma_start3A_494] : memref<2x64x129xf32, #tpu.memory_space<vmem>> -> memref<1x8x128xf32, #tpu.memory_space<vmem>>
      %dma_start3A_496 = tpu.memref_squeeze %dma_start3A_495 : memref<1x8x128xf32, #tpu.memory_space<vmem>> -> memref<8x128xf32, #tpu.memory_space<vmem>>
      tpu.enqueue_dma source(%dma_start3A_496 : memref<8x128xf32, #tpu.memory_space<vmem>>) target(%dma_start3A_492 : memref<8x128xf32, #tpu.memory_space<hbm>>) target_semaphore(%arg12 : memref<!tpu.dma_semaphore, #tpu.memory_space<semaphore_mem>>)
      %dma_start3A_497 = arith.constant 5 : i32
      %dma_start3A_498 = arith.constant 40 : i32
      %dma_start3A_499 = arith.constant 0 : i32
      %dma_start3A_500 = tpu.memref_slice %arg10[%rem3A_376, %dma_start3A_498, %dma_start3A_499] : memref<2x64x129xf32, #tpu.memory_space<vmem>> -> memref<1x8x128xf32, #tpu.memory_space<vmem>>
      %dma_start3A_501 = tpu.memref_squeeze %dma_start3A_500 : memref<1x8x128xf32, #tpu.memory_space<vmem>> -> memref<8x128xf32, #tpu.memory_space<vmem>>
      %dma_start3A_502 = arith.constant 0 : i32
      %dma_start3A_503 = arith.constant 0 : i32
      %dma_start3A_504 = tpu.memref_slice %arg5[%scan3A_375, %dma_start3A_497, %add3A, %dma_start3A_502, %dma_start3A_503] : memref<200x8x32x8x128xf32, #tpu.memory_space<hbm>> -> memref<1x1x1x8x128xf32, #tpu.memory_space<hbm>>
      %dma_start3A_505 = tpu.memref_squeeze %dma_start3A_504 : memref<1x1x1x8x128xf32, #tpu.memory_space<hbm>> -> memref<8x128xf32, #tpu.memory_space<hbm>>
      %dma_start3A_506 = arith.constant 0 : i32
      %dma_start3A_507 = arith.constant 0 : i32
      %dma_start3A_508 = tpu.memref_slice %arg5[%scan3A_375, %dma_start3A_497, %add3A, %dma_start3A_506, %dma_start3A_507] : memref<200x8x32x8x128xf32, #tpu.memory_space<hbm>> -> memref<1x1x1x8x128xf32, #tpu.memory_space<hbm>>
      %dma_start3A_509 = tpu.memref_squeeze %dma_start3A_508 : memref<1x1x1x8x128xf32, #tpu.memory_space<hbm>> -> memref<8x128xf32, #tpu.memory_space<hbm>>
      %dma_start3A_510 = arith.constant 40 : i32
      %dma_start3A_511 = arith.constant 0 : i32
      %dma_start3A_512 = tpu.memref_slice %arg10[%rem3A_376, %dma_start3A_510, %dma_start3A_511] : memref<2x64x129xf32, #tpu.memory_space<vmem>> -> memref<1x8x128xf32, #tpu.memory_space<vmem>>
      %dma_start3A_513 = tpu.memref_squeeze %dma_start3A_512 : memref<1x8x128xf32, #tpu.memory_space<vmem>> -> memref<8x128xf32, #tpu.memory_space<vmem>>
      tpu.enqueue_dma source(%dma_start3A_513 : memref<8x128xf32, #tpu.memory_space<vmem>>) target(%dma_start3A_509 : memref<8x128xf32, #tpu.memory_space<hbm>>) target_semaphore(%arg12 : memref<!tpu.dma_semaphore, #tpu.memory_space<semaphore_mem>>)
      %dma_start3A_514 = arith.constant 6 : i32
      %dma_start3A_515 = arith.constant 48 : i32
      %dma_start3A_516 = arith.constant 0 : i32
      %dma_start3A_517 = tpu.memref_slice %arg10[%rem3A_376, %dma_start3A_515, %dma_start3A_516] : memref<2x64x129xf32, #tpu.memory_space<vmem>> -> memref<1x8x128xf32, #tpu.memory_space<vmem>>
      %dma_start3A_518 = tpu.memref_squeeze %dma_start3A_517 : memref<1x8x128xf32, #tpu.memory_space<vmem>> -> memref<8x128xf32, #tpu.memory_space<vmem>>
      %dma_start3A_519 = arith.constant 0 : i32
      %dma_start3A_520 = arith.constant 0 : i32
      %dma_start3A_521 = tpu.memref_slice %arg5[%scan3A_375, %dma_start3A_514, %add3A, %dma_start3A_519, %dma_start3A_520] : memref<200x8x32x8x128xf32, #tpu.memory_space<hbm>> -> memref<1x1x1x8x128xf32, #tpu.memory_space<hbm>>
      %dma_start3A_522 = tpu.memref_squeeze %dma_start3A_521 : memref<1x1x1x8x128xf32, #tpu.memory_space<hbm>> -> memref<8x128xf32, #tpu.memory_space<hbm>>
      %dma_start3A_523 = arith.constant 0 : i32
      %dma_start3A_524 = arith.constant 0 : i32
      %dma_start3A_525 = tpu.memref_slice %arg5[%scan3A_375, %dma_start3A_514, %add3A, %dma_start3A_523, %dma_start3A_524] : memref<200x8x32x8x128xf32, #tpu.memory_space<hbm>> -> memref<1x1x1x8x128xf32, #tpu.memory_space<hbm>>
      %dma_start3A_526 = tpu.memref_squeeze %dma_start3A_525 : memref<1x1x1x8x128xf32, #tpu.memory_space<hbm>> -> memref<8x128xf32, #tpu.memory_space<hbm>>
      %dma_start3A_527 = arith.constant 48 : i32
      %dma_start3A_528 = arith.constant 0 : i32
      %dma_start3A_529 = tpu.memref_slice %arg10[%rem3A_376, %dma_start3A_527, %dma_start3A_528] : memref<2x64x129xf32, #tpu.memory_space<vmem>> -> memref<1x8x128xf32, #tpu.memory_space<vmem>>
      %dma_start3A_530 = tpu.memref_squeeze %dma_start3A_529 : memref<1x8x128xf32, #tpu.memory_space<vmem>> -> memref<8x128xf32, #tpu.memory_space<vmem>>
      tpu.enqueue_dma source(%dma_start3A_530 : memref<8x128xf32, #tpu.memory_space<vmem>>) target(%dma_start3A_526 : memref<8x128xf32, #tpu.memory_space<hbm>>) target_semaphore(%arg12 : memref<!tpu.dma_semaphore, #tpu.memory_space<semaphore_mem>>)
      %dma_start3A_531 = arith.constant 7 : i32
      %dma_start3A_532 = arith.constant 56 : i32
      %dma_start3A_533 = arith.constant 0 : i32
      %dma_start3A_534 = tpu.memref_slice %arg10[%rem3A_376, %dma_start3A_532, %dma_start3A_533] : memref<2x64x129xf32, #tpu.memory_space<vmem>> -> memref<1x8x128xf32, #tpu.memory_space<vmem>>
      %dma_start3A_535 = tpu.memref_squeeze %dma_start3A_534 : memref<1x8x128xf32, #tpu.memory_space<vmem>> -> memref<8x128xf32, #tpu.memory_space<vmem>>
      %dma_start3A_536 = arith.constant 0 : i32
      %dma_start3A_537 = arith.constant 0 : i32
      %dma_start3A_538 = tpu.memref_slice %arg5[%scan3A_375, %dma_start3A_531, %add3A, %dma_start3A_536, %dma_start3A_537] : memref<200x8x32x8x128xf32, #tpu.memory_space<hbm>> -> memref<1x1x1x8x128xf32, #tpu.memory_space<hbm>>
      %dma_start3A_539 = tpu.memref_squeeze %dma_start3A_538 : memref<1x1x1x8x128xf32, #tpu.memory_space<hbm>> -> memref<8x128xf32, #tpu.memory_space<hbm>>
      %dma_start3A_540 = arith.constant 0 : i32
      %dma_start3A_541 = arith.constant 0 : i32
      %dma_start3A_542 = tpu.memref_slice %arg5[%scan3A_375, %dma_start3A_531, %add3A, %dma_start3A_540, %dma_start3A_541] : memref<200x8x32x8x128xf32, #tpu.memory_space<hbm>> -> memref<1x1x1x8x128xf32, #tpu.memory_space<hbm>>
      %dma_start3A_543 = tpu.memref_squeeze %dma_start3A_542 : memref<1x1x1x8x128xf32, #tpu.memory_space<hbm>> -> memref<8x128xf32, #tpu.memory_space<hbm>>
      %dma_start3A_544 = arith.constant 56 : i32
      %dma_start3A_545 = arith.constant 0 : i32
      %dma_start3A_546 = tpu.memref_slice %arg10[%rem3A_376, %dma_start3A_544, %dma_start3A_545] : memref<2x64x129xf32, #tpu.memory_space<vmem>> -> memref<1x8x128xf32, #tpu.memory_space<vmem>>
      %dma_start3A_547 = tpu.memref_squeeze %dma_start3A_546 : memref<1x8x128xf32, #tpu.memory_space<vmem>> -> memref<8x128xf32, #tpu.memory_space<vmem>>
      tpu.enqueue_dma source(%dma_start3A_547 : memref<8x128xf32, #tpu.memory_space<vmem>>) target(%dma_start3A_543 : memref<8x128xf32, #tpu.memory_space<hbm>>) target_semaphore(%arg12 : memref<!tpu.dma_semaphore, #tpu.memory_space<semaphore_mem>>)
    }
    %scan3A_71 = arith.constant 200 : i32
    %dma_wait3A = arith.constant 0 : i32
    %dma_wait3A_72 = arith.constant 198 : i32
    %dma_wait3A_73 = arith.constant 0 : i32
    %dma_wait3A_74 = arith.constant 0 : i32
    %dma_wait3A_75 = arith.constant 0 : i32
    %dma_wait3A_76 = tpu.memref_slice %arg10[%dma_wait3A, %dma_wait3A_74, %dma_wait3A_75] : memref<2x64x129xf32, #tpu.memory_space<vmem>> -> memref<1x8x128xf32, #tpu.memory_space<vmem>>
    %dma_wait3A_77 = tpu.memref_squeeze %dma_wait3A_76 : memref<1x8x128xf32, #tpu.memory_space<vmem>> -> memref<8x128xf32, #tpu.memory_space<vmem>>
    %dma_wait3A_78 = arith.constant 0 : i32
    %dma_wait3A_79 = arith.constant 0 : i32
    %dma_wait3A_80 = tpu.memref_slice %arg5[%dma_wait3A_72, %dma_wait3A_73, %add3A, %dma_wait3A_78, %dma_wait3A_79] : memref<200x8x32x8x128xf32, #tpu.memory_space<hbm>> -> memref<1x1x1x8x128xf32, #tpu.memory_space<hbm>>
    %dma_wait3A_81 = tpu.memref_squeeze %dma_wait3A_80 : memref<1x1x1x8x128xf32, #tpu.memory_space<hbm>> -> memref<8x128xf32, #tpu.memory_space<hbm>>
    %dma_wait3A_82 = arith.constant 0 : i32
    %dma_wait3A_83 = arith.constant 0 : i32
    %dma_wait3A_84 = tpu.memref_slice %arg5[%dma_wait3A_72, %dma_wait3A_73, %add3A, %dma_wait3A_82, %dma_wait3A_83] : memref<200x8x32x8x128xf32, #tpu.memory_space<hbm>> -> memref<1x1x1x8x128xf32, #tpu.memory_space<hbm>>
    %dma_wait3A_85 = tpu.memref_squeeze %dma_wait3A_84 : memref<1x1x1x8x128xf32, #tpu.memory_space<hbm>> -> memref<8x128xf32, #tpu.memory_space<hbm>>
    %dma_wait3A_86 = arith.constant 0 : i32
    %dma_wait3A_87 = arith.constant 0 : i32
    %dma_wait3A_88 = tpu.memref_slice %arg10[%dma_wait3A, %dma_wait3A_86, %dma_wait3A_87] : memref<2x64x129xf32, #tpu.memory_space<vmem>> -> memref<1x8x128xf32, #tpu.memory_space<vmem>>
    %dma_wait3A_89 = tpu.memref_squeeze %dma_wait3A_88 : memref<1x8x128xf32, #tpu.memory_space<vmem>> -> memref<8x128xf32, #tpu.memory_space<vmem>>
    tpu.wait_dma2 semaphore(%arg12 : memref<!tpu.dma_semaphore, #tpu.memory_space<semaphore_mem>>) src(%dma_wait3A_89 : memref<8x128xf32, #tpu.memory_space<vmem>>) dst(%dma_wait3A_85 : memref<8x128xf32, #tpu.memory_space<hbm>>)
    %dma_wait3A_90 = arith.constant 0 : i32
    %dma_wait3A_91 = arith.constant 198 : i32
    %dma_wait3A_92 = arith.constant 1 : i32
    %dma_wait3A_93 = arith.constant 8 : i32
    %dma_wait3A_94 = arith.constant 0 : i32
    %dma_wait3A_95 = tpu.memref_slice %arg10[%dma_wait3A_90, %dma_wait3A_93, %dma_wait3A_94] : memref<2x64x129xf32, #tpu.memory_space<vmem>> -> memref<1x8x128xf32, #tpu.memory_space<vmem>>
    %dma_wait3A_96 = tpu.memref_squeeze %dma_wait3A_95 : memref<1x8x128xf32, #tpu.memory_space<vmem>> -> memref<8x128xf32, #tpu.memory_space<vmem>>
    %dma_wait3A_97 = arith.constant 0 : i32
    %dma_wait3A_98 = arith.constant 0 : i32
    %dma_wait3A_99 = tpu.memref_slice %arg5[%dma_wait3A_91, %dma_wait3A_92, %add3A, %dma_wait3A_97, %dma_wait3A_98] : memref<200x8x32x8x128xf32, #tpu.memory_space<hbm>> -> memref<1x1x1x8x128xf32, #tpu.memory_space<hbm>>
    %dma_wait3A_100 = tpu.memref_squeeze %dma_wait3A_99 : memref<1x1x1x8x128xf32, #tpu.memory_space<hbm>> -> memref<8x128xf32, #tpu.memory_space<hbm>>
    %dma_wait3A_101 = arith.constant 0 : i32
    %dma_wait3A_102 = arith.constant 0 : i32
    %dma_wait3A_103 = tpu.memref_slice %arg5[%dma_wait3A_91, %dma_wait3A_92, %add3A, %dma_wait3A_101, %dma_wait3A_102] : memref<200x8x32x8x128xf32, #tpu.memory_space<hbm>> -> memref<1x1x1x8x128xf32, #tpu.memory_space<hbm>>
    %dma_wait3A_104 = tpu.memref_squeeze %dma_wait3A_103 : memref<1x1x1x8x128xf32, #tpu.memory_space<hbm>> -> memref<8x128xf32, #tpu.memory_space<hbm>>
    %dma_wait3A_105 = arith.constant 8 : i32
    %dma_wait3A_106 = arith.constant 0 : i32
    %dma_wait3A_107 = tpu.memref_slice %arg10[%dma_wait3A_90, %dma_wait3A_105, %dma_wait3A_106] : memref<2x64x129xf32, #tpu.memory_space<vmem>> -> memref<1x8x128xf32, #tpu.memory_space<vmem>>
    %dma_wait3A_108 = tpu.memref_squeeze %dma_wait3A_107 : memref<1x8x128xf32, #tpu.memory_space<vmem>> -> memref<8x128xf32, #tpu.memory_space<vmem>>
    tpu.wait_dma2 semaphore(%arg12 : memref<!tpu.dma_semaphore, #tpu.memory_space<semaphore_mem>>) src(%dma_wait3A_108 : memref<8x128xf32, #tpu.memory_space<vmem>>) dst(%dma_wait3A_104 : memref<8x128xf32, #tpu.memory_space<hbm>>)
    %dma_wait3A_109 = arith.constant 0 : i32
    %dma_wait3A_110 = arith.constant 198 : i32
    %dma_wait3A_111 = arith.constant 2 : i32
    %dma_wait3A_112 = arith.constant 16 : i32
    %dma_wait3A_113 = arith.constant 0 : i32
    %dma_wait3A_114 = tpu.memref_slice %arg10[%dma_wait3A_109, %dma_wait3A_112, %dma_wait3A_113] : memref<2x64x129xf32, #tpu.memory_space<vmem>> -> memref<1x8x128xf32, #tpu.memory_space<vmem>>
    %dma_wait3A_115 = tpu.memref_squeeze %dma_wait3A_114 : memref<1x8x128xf32, #tpu.memory_space<vmem>> -> memref<8x128xf32, #tpu.memory_space<vmem>>
    %dma_wait3A_116 = arith.constant 0 : i32
    %dma_wait3A_117 = arith.constant 0 : i32
    %dma_wait3A_118 = tpu.memref_slice %arg5[%dma_wait3A_110, %dma_wait3A_111, %add3A, %dma_wait3A_116, %dma_wait3A_117] : memref<200x8x32x8x128xf32, #tpu.memory_space<hbm>> -> memref<1x1x1x8x128xf32, #tpu.memory_space<hbm>>
    %dma_wait3A_119 = tpu.memref_squeeze %dma_wait3A_118 : memref<1x1x1x8x128xf32, #tpu.memory_space<hbm>> -> memref<8x128xf32, #tpu.memory_space<hbm>>
    %dma_wait3A_120 = arith.constant 0 : i32
    %dma_wait3A_121 = arith.constant 0 : i32
    %dma_wait3A_122 = tpu.memref_slice %arg5[%dma_wait3A_110, %dma_wait3A_111, %add3A, %dma_wait3A_120, %dma_wait3A_121] : memref<200x8x32x8x128xf32, #tpu.memory_space<hbm>> -> memref<1x1x1x8x128xf32, #tpu.memory_space<hbm>>
    %dma_wait3A_123 = tpu.memref_squeeze %dma_wait3A_122 : memref<1x1x1x8x128xf32, #tpu.memory_space<hbm>> -> memref<8x128xf32, #tpu.memory_space<hbm>>
    %dma_wait3A_124 = arith.constant 16 : i32
    %dma_wait3A_125 = arith.constant 0 : i32
    %dma_wait3A_126 = tpu.memref_slice %arg10[%dma_wait3A_109, %dma_wait3A_124, %dma_wait3A_125] : memref<2x64x129xf32, #tpu.memory_space<vmem>> -> memref<1x8x128xf32, #tpu.memory_space<vmem>>
    %dma_wait3A_127 = tpu.memref_squeeze %dma_wait3A_126 : memref<1x8x128xf32, #tpu.memory_space<vmem>> -> memref<8x128xf32, #tpu.memory_space<vmem>>
    tpu.wait_dma2 semaphore(%arg12 : memref<!tpu.dma_semaphore, #tpu.memory_space<semaphore_mem>>) src(%dma_wait3A_127 : memref<8x128xf32, #tpu.memory_space<vmem>>) dst(%dma_wait3A_123 : memref<8x128xf32, #tpu.memory_space<hbm>>)
    %dma_wait3A_128 = arith.constant 0 : i32
    %dma_wait3A_129 = arith.constant 198 : i32
    %dma_wait3A_130 = arith.constant 3 : i32
    %dma_wait3A_131 = arith.constant 24 : i32
    %dma_wait3A_132 = arith.constant 0 : i32
    %dma_wait3A_133 = tpu.memref_slice %arg10[%dma_wait3A_128, %dma_wait3A_131, %dma_wait3A_132] : memref<2x64x129xf32, #tpu.memory_space<vmem>> -> memref<1x8x128xf32, #tpu.memory_space<vmem>>
    %dma_wait3A_134 = tpu.memref_squeeze %dma_wait3A_133 : memref<1x8x128xf32, #tpu.memory_space<vmem>> -> memref<8x128xf32, #tpu.memory_space<vmem>>
    %dma_wait3A_135 = arith.constant 0 : i32
    %dma_wait3A_136 = arith.constant 0 : i32
    %dma_wait3A_137 = tpu.memref_slice %arg5[%dma_wait3A_129, %dma_wait3A_130, %add3A, %dma_wait3A_135, %dma_wait3A_136] : memref<200x8x32x8x128xf32, #tpu.memory_space<hbm>> -> memref<1x1x1x8x128xf32, #tpu.memory_space<hbm>>
    %dma_wait3A_138 = tpu.memref_squeeze %dma_wait3A_137 : memref<1x1x1x8x128xf32, #tpu.memory_space<hbm>> -> memref<8x128xf32, #tpu.memory_space<hbm>>
    %dma_wait3A_139 = arith.constant 0 : i32
    %dma_wait3A_140 = arith.constant 0 : i32
    %dma_wait3A_141 = tpu.memref_slice %arg5[%dma_wait3A_129, %dma_wait3A_130, %add3A, %dma_wait3A_139, %dma_wait3A_140] : memref<200x8x32x8x128xf32, #tpu.memory_space<hbm>> -> memref<1x1x1x8x128xf32, #tpu.memory_space<hbm>>
    %dma_wait3A_142 = tpu.memref_squeeze %dma_wait3A_141 : memref<1x1x1x8x128xf32, #tpu.memory_space<hbm>> -> memref<8x128xf32, #tpu.memory_space<hbm>>
    %dma_wait3A_143 = arith.constant 24 : i32
    %dma_wait3A_144 = arith.constant 0 : i32
    %dma_wait3A_145 = tpu.memref_slice %arg10[%dma_wait3A_128, %dma_wait3A_143, %dma_wait3A_144] : memref<2x64x129xf32, #tpu.memory_space<vmem>> -> memref<1x8x128xf32, #tpu.memory_space<vmem>>
    %dma_wait3A_146 = tpu.memref_squeeze %dma_wait3A_145 : memref<1x8x128xf32, #tpu.memory_space<vmem>> -> memref<8x128xf32, #tpu.memory_space<vmem>>
    tpu.wait_dma2 semaphore(%arg12 : memref<!tpu.dma_semaphore, #tpu.memory_space<semaphore_mem>>) src(%dma_wait3A_146 : memref<8x128xf32, #tpu.memory_space<vmem>>) dst(%dma_wait3A_142 : memref<8x128xf32, #tpu.memory_space<hbm>>)
    %dma_wait3A_147 = arith.constant 0 : i32
    %dma_wait3A_148 = arith.constant 198 : i32
    %dma_wait3A_149 = arith.constant 4 : i32
    %dma_wait3A_150 = arith.constant 32 : i32
    %dma_wait3A_151 = arith.constant 0 : i32
    %dma_wait3A_152 = tpu.memref_slice %arg10[%dma_wait3A_147, %dma_wait3A_150, %dma_wait3A_151] : memref<2x64x129xf32, #tpu.memory_space<vmem>> -> memref<1x8x128xf32, #tpu.memory_space<vmem>>
    %dma_wait3A_153 = tpu.memref_squeeze %dma_wait3A_152 : memref<1x8x128xf32, #tpu.memory_space<vmem>> -> memref<8x128xf32, #tpu.memory_space<vmem>>
    %dma_wait3A_154 = arith.constant 0 : i32
    %dma_wait3A_155 = arith.constant 0 : i32
    %dma_wait3A_156 = tpu.memref_slice %arg5[%dma_wait3A_148, %dma_wait3A_149, %add3A, %dma_wait3A_154, %dma_wait3A_155] : memref<200x8x32x8x128xf32, #tpu.memory_space<hbm>> -> memref<1x1x1x8x128xf32, #tpu.memory_space<hbm>>
    %dma_wait3A_157 = tpu.memref_squeeze %dma_wait3A_156 : memref<1x1x1x8x128xf32, #tpu.memory_space<hbm>> -> memref<8x128xf32, #tpu.memory_space<hbm>>
    %dma_wait3A_158 = arith.constant 0 : i32
    %dma_wait3A_159 = arith.constant 0 : i32
    %dma_wait3A_160 = tpu.memref_slice %arg5[%dma_wait3A_148, %dma_wait3A_149, %add3A, %dma_wait3A_158, %dma_wait3A_159] : memref<200x8x32x8x128xf32, #tpu.memory_space<hbm>> -> memref<1x1x1x8x128xf32, #tpu.memory_space<hbm>>
    %dma_wait3A_161 = tpu.memref_squeeze %dma_wait3A_160 : memref<1x1x1x8x128xf32, #tpu.memory_space<hbm>> -> memref<8x128xf32, #tpu.memory_space<hbm>>
    %dma_wait3A_162 = arith.constant 32 : i32
    %dma_wait3A_163 = arith.constant 0 : i32
    %dma_wait3A_164 = tpu.memref_slice %arg10[%dma_wait3A_147, %dma_wait3A_162, %dma_wait3A_163] : memref<2x64x129xf32, #tpu.memory_space<vmem>> -> memref<1x8x128xf32, #tpu.memory_space<vmem>>
    %dma_wait3A_165 = tpu.memref_squeeze %dma_wait3A_164 : memref<1x8x128xf32, #tpu.memory_space<vmem>> -> memref<8x128xf32, #tpu.memory_space<vmem>>
    tpu.wait_dma2 semaphore(%arg12 : memref<!tpu.dma_semaphore, #tpu.memory_space<semaphore_mem>>) src(%dma_wait3A_165 : memref<8x128xf32, #tpu.memory_space<vmem>>) dst(%dma_wait3A_161 : memref<8x128xf32, #tpu.memory_space<hbm>>)
    %dma_wait3A_166 = arith.constant 0 : i32
    %dma_wait3A_167 = arith.constant 198 : i32
    %dma_wait3A_168 = arith.constant 5 : i32
    %dma_wait3A_169 = arith.constant 40 : i32
    %dma_wait3A_170 = arith.constant 0 : i32
    %dma_wait3A_171 = tpu.memref_slice %arg10[%dma_wait3A_166, %dma_wait3A_169, %dma_wait3A_170] : memref<2x64x129xf32, #tpu.memory_space<vmem>> -> memref<1x8x128xf32, #tpu.memory_space<vmem>>
    %dma_wait3A_172 = tpu.memref_squeeze %dma_wait3A_171 : memref<1x8x128xf32, #tpu.memory_space<vmem>> -> memref<8x128xf32, #tpu.memory_space<vmem>>
    %dma_wait3A_173 = arith.constant 0 : i32
    %dma_wait3A_174 = arith.constant 0 : i32
    %dma_wait3A_175 = tpu.memref_slice %arg5[%dma_wait3A_167, %dma_wait3A_168, %add3A, %dma_wait3A_173, %dma_wait3A_174] : memref<200x8x32x8x128xf32, #tpu.memory_space<hbm>> -> memref<1x1x1x8x128xf32, #tpu.memory_space<hbm>>
    %dma_wait3A_176 = tpu.memref_squeeze %dma_wait3A_175 : memref<1x1x1x8x128xf32, #tpu.memory_space<hbm>> -> memref<8x128xf32, #tpu.memory_space<hbm>>
    %dma_wait3A_177 = arith.constant 0 : i32
    %dma_wait3A_178 = arith.constant 0 : i32
    %dma_wait3A_179 = tpu.memref_slice %arg5[%dma_wait3A_167, %dma_wait3A_168, %add3A, %dma_wait3A_177, %dma_wait3A_178] : memref<200x8x32x8x128xf32, #tpu.memory_space<hbm>> -> memref<1x1x1x8x128xf32, #tpu.memory_space<hbm>>
    %dma_wait3A_180 = tpu.memref_squeeze %dma_wait3A_179 : memref<1x1x1x8x128xf32, #tpu.memory_space<hbm>> -> memref<8x128xf32, #tpu.memory_space<hbm>>
    %dma_wait3A_181 = arith.constant 40 : i32
    %dma_wait3A_182 = arith.constant 0 : i32
    %dma_wait3A_183 = tpu.memref_slice %arg10[%dma_wait3A_166, %dma_wait3A_181, %dma_wait3A_182] : memref<2x64x129xf32, #tpu.memory_space<vmem>> -> memref<1x8x128xf32, #tpu.memory_space<vmem>>
    %dma_wait3A_184 = tpu.memref_squeeze %dma_wait3A_183 : memref<1x8x128xf32, #tpu.memory_space<vmem>> -> memref<8x128xf32, #tpu.memory_space<vmem>>
    tpu.wait_dma2 semaphore(%arg12 : memref<!tpu.dma_semaphore, #tpu.memory_space<semaphore_mem>>) src(%dma_wait3A_184 : memref<8x128xf32, #tpu.memory_space<vmem>>) dst(%dma_wait3A_180 : memref<8x128xf32, #tpu.memory_space<hbm>>)
    %dma_wait3A_185 = arith.constant 0 : i32
    %dma_wait3A_186 = arith.constant 198 : i32
    %dma_wait3A_187 = arith.constant 6 : i32
    %dma_wait3A_188 = arith.constant 48 : i32
    %dma_wait3A_189 = arith.constant 0 : i32
    %dma_wait3A_190 = tpu.memref_slice %arg10[%dma_wait3A_185, %dma_wait3A_188, %dma_wait3A_189] : memref<2x64x129xf32, #tpu.memory_space<vmem>> -> memref<1x8x128xf32, #tpu.memory_space<vmem>>
    %dma_wait3A_191 = tpu.memref_squeeze %dma_wait3A_190 : memref<1x8x128xf32, #tpu.memory_space<vmem>> -> memref<8x128xf32, #tpu.memory_space<vmem>>
    %dma_wait3A_192 = arith.constant 0 : i32
    %dma_wait3A_193 = arith.constant 0 : i32
    %dma_wait3A_194 = tpu.memref_slice %arg5[%dma_wait3A_186, %dma_wait3A_187, %add3A, %dma_wait3A_192, %dma_wait3A_193] : memref<200x8x32x8x128xf32, #tpu.memory_space<hbm>> -> memref<1x1x1x8x128xf32, #tpu.memory_space<hbm>>
    %dma_wait3A_195 = tpu.memref_squeeze %dma_wait3A_194 : memref<1x1x1x8x128xf32, #tpu.memory_space<hbm>> -> memref<8x128xf32, #tpu.memory_space<hbm>>
    %dma_wait3A_196 = arith.constant 0 : i32
    %dma_wait3A_197 = arith.constant 0 : i32
    %dma_wait3A_198 = tpu.memref_slice %arg5[%dma_wait3A_186, %dma_wait3A_187, %add3A, %dma_wait3A_196, %dma_wait3A_197] : memref<200x8x32x8x128xf32, #tpu.memory_space<hbm>> -> memref<1x1x1x8x128xf32, #tpu.memory_space<hbm>>
    %dma_wait3A_199 = tpu.memref_squeeze %dma_wait3A_198 : memref<1x1x1x8x128xf32, #tpu.memory_space<hbm>> -> memref<8x128xf32, #tpu.memory_space<hbm>>
    %dma_wait3A_200 = arith.constant 48 : i32
    %dma_wait3A_201 = arith.constant 0 : i32
    %dma_wait3A_202 = tpu.memref_slice %arg10[%dma_wait3A_185, %dma_wait3A_200, %dma_wait3A_201] : memref<2x64x129xf32, #tpu.memory_space<vmem>> -> memref<1x8x128xf32, #tpu.memory_space<vmem>>
    %dma_wait3A_203 = tpu.memref_squeeze %dma_wait3A_202 : memref<1x8x128xf32, #tpu.memory_space<vmem>> -> memref<8x128xf32, #tpu.memory_space<vmem>>
    tpu.wait_dma2 semaphore(%arg12 : memref<!tpu.dma_semaphore, #tpu.memory_space<semaphore_mem>>) src(%dma_wait3A_203 : memref<8x128xf32, #tpu.memory_space<vmem>>) dst(%dma_wait3A_199 : memref<8x128xf32, #tpu.memory_space<hbm>>)
    %dma_wait3A_204 = arith.constant 0 : i32
    %dma_wait3A_205 = arith.constant 198 : i32
    %dma_wait3A_206 = arith.constant 7 : i32
    %dma_wait3A_207 = arith.constant 56 : i32
    %dma_wait3A_208 = arith.constant 0 : i32
    %dma_wait3A_209 = tpu.memref_slice %arg10[%dma_wait3A_204, %dma_wait3A_207, %dma_wait3A_208] : memref<2x64x129xf32, #tpu.memory_space<vmem>> -> memref<1x8x128xf32, #tpu.memory_space<vmem>>
    %dma_wait3A_210 = tpu.memref_squeeze %dma_wait3A_209 : memref<1x8x128xf32, #tpu.memory_space<vmem>> -> memref<8x128xf32, #tpu.memory_space<vmem>>
    %dma_wait3A_211 = arith.constant 0 : i32
    %dma_wait3A_212 = arith.constant 0 : i32
    %dma_wait3A_213 = tpu.memref_slice %arg5[%dma_wait3A_205, %dma_wait3A_206, %add3A, %dma_wait3A_211, %dma_wait3A_212] : memref<200x8x32x8x128xf32, #tpu.memory_space<hbm>> -> memref<1x1x1x8x128xf32, #tpu.memory_space<hbm>>
    %dma_wait3A_214 = tpu.memref_squeeze %dma_wait3A_213 : memref<1x1x1x8x128xf32, #tpu.memory_space<hbm>> -> memref<8x128xf32, #tpu.memory_space<hbm>>
    %dma_wait3A_215 = arith.constant 0 : i32
    %dma_wait3A_216 = arith.constant 0 : i32
    %dma_wait3A_217 = tpu.memref_slice %arg5[%dma_wait3A_205, %dma_wait3A_206, %add3A, %dma_wait3A_215, %dma_wait3A_216] : memref<200x8x32x8x128xf32, #tpu.memory_space<hbm>> -> memref<1x1x1x8x128xf32, #tpu.memory_space<hbm>>
    %dma_wait3A_218 = tpu.memref_squeeze %dma_wait3A_217 : memref<1x1x1x8x128xf32, #tpu.memory_space<hbm>> -> memref<8x128xf32, #tpu.memory_space<hbm>>
    %dma_wait3A_219 = arith.constant 56 : i32
    %dma_wait3A_220 = arith.constant 0 : i32
    %dma_wait3A_221 = tpu.memref_slice %arg10[%dma_wait3A_204, %dma_wait3A_219, %dma_wait3A_220] : memref<2x64x129xf32, #tpu.memory_space<vmem>> -> memref<1x8x128xf32, #tpu.memory_space<vmem>>
    %dma_wait3A_222 = tpu.memref_squeeze %dma_wait3A_221 : memref<1x8x128xf32, #tpu.memory_space<vmem>> -> memref<8x128xf32, #tpu.memory_space<vmem>>
    tpu.wait_dma2 semaphore(%arg12 : memref<!tpu.dma_semaphore, #tpu.memory_space<semaphore_mem>>) src(%dma_wait3A_222 : memref<8x128xf32, #tpu.memory_space<vmem>>) dst(%dma_wait3A_218 : memref<8x128xf32, #tpu.memory_space<hbm>>)
    %dma_wait3A_223 = arith.constant 1 : i32
    %dma_wait3A_224 = arith.constant 199 : i32
    %dma_wait3A_225 = arith.constant 0 : i32
    %dma_wait3A_226 = arith.constant 0 : i32
    %dma_wait3A_227 = arith.constant 0 : i32
    %dma_wait3A_228 = tpu.memref_slice %arg10[%dma_wait3A_223, %dma_wait3A_226, %dma_wait3A_227] : memref<2x64x129xf32, #tpu.memory_space<vmem>> -> memref<1x8x128xf32, #tpu.memory_space<vmem>>
    %dma_wait3A_229 = tpu.memref_squeeze %dma_wait3A_228 : memref<1x8x128xf32, #tpu.memory_space<vmem>> -> memref<8x128xf32, #tpu.memory_space<vmem>>
    %dma_wait3A_230 = arith.constant 0 : i32
    %dma_wait3A_231 = arith.constant 0 : i32
    %dma_wait3A_232 = tpu.memref_slice %arg5[%dma_wait3A_224, %dma_wait3A_225, %add3A, %dma_wait3A_230, %dma_wait3A_231] : memref<200x8x32x8x128xf32, #tpu.memory_space<hbm>> -> memref<1x1x1x8x128xf32, #tpu.memory_space<hbm>>
    %dma_wait3A_233 = tpu.memref_squeeze %dma_wait3A_232 : memref<1x1x1x8x128xf32, #tpu.memory_space<hbm>> -> memref<8x128xf32, #tpu.memory_space<hbm>>
    %dma_wait3A_234 = arith.constant 0 : i32
    %dma_wait3A_235 = arith.constant 0 : i32
    %dma_wait3A_236 = tpu.memref_slice %arg5[%dma_wait3A_224, %dma_wait3A_225, %add3A, %dma_wait3A_234, %dma_wait3A_235] : memref<200x8x32x8x128xf32, #tpu.memory_space<hbm>> -> memref<1x1x1x8x128xf32, #tpu.memory_space<hbm>>
    %dma_wait3A_237 = tpu.memref_squeeze %dma_wait3A_236 : memref<1x1x1x8x128xf32, #tpu.memory_space<hbm>> -> memref<8x128xf32, #tpu.memory_space<hbm>>
    %dma_wait3A_238 = arith.constant 0 : i32
    %dma_wait3A_239 = arith.constant 0 : i32
    %dma_wait3A_240 = tpu.memref_slice %arg10[%dma_wait3A_223, %dma_wait3A_238, %dma_wait3A_239] : memref<2x64x129xf32, #tpu.memory_space<vmem>> -> memref<1x8x128xf32, #tpu.memory_space<vmem>>
    %dma_wait3A_241 = tpu.memref_squeeze %dma_wait3A_240 : memref<1x8x128xf32, #tpu.memory_space<vmem>> -> memref<8x128xf32, #tpu.memory_space<vmem>>
    tpu.wait_dma2 semaphore(%arg12 : memref<!tpu.dma_semaphore, #tpu.memory_space<semaphore_mem>>) src(%dma_wait3A_241 : memref<8x128xf32, #tpu.memory_space<vmem>>) dst(%dma_wait3A_237 : memref<8x128xf32, #tpu.memory_space<hbm>>)
    %dma_wait3A_242 = arith.constant 1 : i32
    %dma_wait3A_243 = arith.constant 199 : i32
    %dma_wait3A_244 = arith.constant 1 : i32
    %dma_wait3A_245 = arith.constant 8 : i32
    %dma_wait3A_246 = arith.constant 0 : i32
    %dma_wait3A_247 = tpu.memref_slice %arg10[%dma_wait3A_242, %dma_wait3A_245, %dma_wait3A_246] : memref<2x64x129xf32, #tpu.memory_space<vmem>> -> memref<1x8x128xf32, #tpu.memory_space<vmem>>
    %dma_wait3A_248 = tpu.memref_squeeze %dma_wait3A_247 : memref<1x8x128xf32, #tpu.memory_space<vmem>> -> memref<8x128xf32, #tpu.memory_space<vmem>>
    %dma_wait3A_249 = arith.constant 0 : i32
    %dma_wait3A_250 = arith.constant 0 : i32
    %dma_wait3A_251 = tpu.memref_slice %arg5[%dma_wait3A_243, %dma_wait3A_244, %add3A, %dma_wait3A_249, %dma_wait3A_250] : memref<200x8x32x8x128xf32, #tpu.memory_space<hbm>> -> memref<1x1x1x8x128xf32, #tpu.memory_space<hbm>>
    %dma_wait3A_252 = tpu.memref_squeeze %dma_wait3A_251 : memref<1x1x1x8x128xf32, #tpu.memory_space<hbm>> -> memref<8x128xf32, #tpu.memory_space<hbm>>
    %dma_wait3A_253 = arith.constant 0 : i32
    %dma_wait3A_254 = arith.constant 0 : i32
    %dma_wait3A_255 = tpu.memref_slice %arg5[%dma_wait3A_243, %dma_wait3A_244, %add3A, %dma_wait3A_253, %dma_wait3A_254] : memref<200x8x32x8x128xf32, #tpu.memory_space<hbm>> -> memref<1x1x1x8x128xf32, #tpu.memory_space<hbm>>
    %dma_wait3A_256 = tpu.memref_squeeze %dma_wait3A_255 : memref<1x1x1x8x128xf32, #tpu.memory_space<hbm>> -> memref<8x128xf32, #tpu.memory_space<hbm>>
    %dma_wait3A_257 = arith.constant 8 : i32
    %dma_wait3A_258 = arith.constant 0 : i32
    %dma_wait3A_259 = tpu.memref_slice %arg10[%dma_wait3A_242, %dma_wait3A_257, %dma_wait3A_258] : memref<2x64x129xf32, #tpu.memory_space<vmem>> -> memref<1x8x128xf32, #tpu.memory_space<vmem>>
    %dma_wait3A_260 = tpu.memref_squeeze %dma_wait3A_259 : memref<1x8x128xf32, #tpu.memory_space<vmem>> -> memref<8x128xf32, #tpu.memory_space<vmem>>
    tpu.wait_dma2 semaphore(%arg12 : memref<!tpu.dma_semaphore, #tpu.memory_space<semaphore_mem>>) src(%dma_wait3A_260 : memref<8x128xf32, #tpu.memory_space<vmem>>) dst(%dma_wait3A_256 : memref<8x128xf32, #tpu.memory_space<hbm>>)
    %dma_wait3A_261 = arith.constant 1 : i32
    %dma_wait3A_262 = arith.constant 199 : i32
    %dma_wait3A_263 = arith.constant 2 : i32
    %dma_wait3A_264 = arith.constant 16 : i32
    %dma_wait3A_265 = arith.constant 0 : i32
    %dma_wait3A_266 = tpu.memref_slice %arg10[%dma_wait3A_261, %dma_wait3A_264, %dma_wait3A_265] : memref<2x64x129xf32, #tpu.memory_space<vmem>> -> memref<1x8x128xf32, #tpu.memory_space<vmem>>
    %dma_wait3A_267 = tpu.memref_squeeze %dma_wait3A_266 : memref<1x8x128xf32, #tpu.memory_space<vmem>> -> memref<8x128xf32, #tpu.memory_space<vmem>>
    %dma_wait3A_268 = arith.constant 0 : i32
    %dma_wait3A_269 = arith.constant 0 : i32
    %dma_wait3A_270 = tpu.memref_slice %arg5[%dma_wait3A_262, %dma_wait3A_263, %add3A, %dma_wait3A_268, %dma_wait3A_269] : memref<200x8x32x8x128xf32, #tpu.memory_space<hbm>> -> memref<1x1x1x8x128xf32, #tpu.memory_space<hbm>>
    %dma_wait3A_271 = tpu.memref_squeeze %dma_wait3A_270 : memref<1x1x1x8x128xf32, #tpu.memory_space<hbm>> -> memref<8x128xf32, #tpu.memory_space<hbm>>
    %dma_wait3A_272 = arith.constant 0 : i32
    %dma_wait3A_273 = arith.constant 0 : i32
    %dma_wait3A_274 = tpu.memref_slice %arg5[%dma_wait3A_262, %dma_wait3A_263, %add3A, %dma_wait3A_272, %dma_wait3A_273] : memref<200x8x32x8x128xf32, #tpu.memory_space<hbm>> -> memref<1x1x1x8x128xf32, #tpu.memory_space<hbm>>
    %dma_wait3A_275 = tpu.memref_squeeze %dma_wait3A_274 : memref<1x1x1x8x128xf32, #tpu.memory_space<hbm>> -> memref<8x128xf32, #tpu.memory_space<hbm>>
    %dma_wait3A_276 = arith.constant 16 : i32
    %dma_wait3A_277 = arith.constant 0 : i32
    %dma_wait3A_278 = tpu.memref_slice %arg10[%dma_wait3A_261, %dma_wait3A_276, %dma_wait3A_277] : memref<2x64x129xf32, #tpu.memory_space<vmem>> -> memref<1x8x128xf32, #tpu.memory_space<vmem>>
    %dma_wait3A_279 = tpu.memref_squeeze %dma_wait3A_278 : memref<1x8x128xf32, #tpu.memory_space<vmem>> -> memref<8x128xf32, #tpu.memory_space<vmem>>
    tpu.wait_dma2 semaphore(%arg12 : memref<!tpu.dma_semaphore, #tpu.memory_space<semaphore_mem>>) src(%dma_wait3A_279 : memref<8x128xf32, #tpu.memory_space<vmem>>) dst(%dma_wait3A_275 : memref<8x128xf32, #tpu.memory_space<hbm>>)
    %dma_wait3A_280 = arith.constant 1 : i32
    %dma_wait3A_281 = arith.constant 199 : i32
    %dma_wait3A_282 = arith.constant 3 : i32
    %dma_wait3A_283 = arith.constant 24 : i32
    %dma_wait3A_284 = arith.constant 0 : i32
    %dma_wait3A_285 = tpu.memref_slice %arg10[%dma_wait3A_280, %dma_wait3A_283, %dma_wait3A_284] : memref<2x64x129xf32, #tpu.memory_space<vmem>> -> memref<1x8x128xf32, #tpu.memory_space<vmem>>
    %dma_wait3A_286 = tpu.memref_squeeze %dma_wait3A_285 : memref<1x8x128xf32, #tpu.memory_space<vmem>> -> memref<8x128xf32, #tpu.memory_space<vmem>>
    %dma_wait3A_287 = arith.constant 0 : i32
    %dma_wait3A_288 = arith.constant 0 : i32
    %dma_wait3A_289 = tpu.memref_slice %arg5[%dma_wait3A_281, %dma_wait3A_282, %add3A, %dma_wait3A_287, %dma_wait3A_288] : memref<200x8x32x8x128xf32, #tpu.memory_space<hbm>> -> memref<1x1x1x8x128xf32, #tpu.memory_space<hbm>>
    %dma_wait3A_290 = tpu.memref_squeeze %dma_wait3A_289 : memref<1x1x1x8x128xf32, #tpu.memory_space<hbm>> -> memref<8x128xf32, #tpu.memory_space<hbm>>
    %dma_wait3A_291 = arith.constant 0 : i32
    %dma_wait3A_292 = arith.constant 0 : i32
    %dma_wait3A_293 = tpu.memref_slice %arg5[%dma_wait3A_281, %dma_wait3A_282, %add3A, %dma_wait3A_291, %dma_wait3A_292] : memref<200x8x32x8x128xf32, #tpu.memory_space<hbm>> -> memref<1x1x1x8x128xf32, #tpu.memory_space<hbm>>
    %dma_wait3A_294 = tpu.memref_squeeze %dma_wait3A_293 : memref<1x1x1x8x128xf32, #tpu.memory_space<hbm>> -> memref<8x128xf32, #tpu.memory_space<hbm>>
    %dma_wait3A_295 = arith.constant 24 : i32
    %dma_wait3A_296 = arith.constant 0 : i32
    %dma_wait3A_297 = tpu.memref_slice %arg10[%dma_wait3A_280, %dma_wait3A_295, %dma_wait3A_296] : memref<2x64x129xf32, #tpu.memory_space<vmem>> -> memref<1x8x128xf32, #tpu.memory_space<vmem>>
    %dma_wait3A_298 = tpu.memref_squeeze %dma_wait3A_297 : memref<1x8x128xf32, #tpu.memory_space<vmem>> -> memref<8x128xf32, #tpu.memory_space<vmem>>
    tpu.wait_dma2 semaphore(%arg12 : memref<!tpu.dma_semaphore, #tpu.memory_space<semaphore_mem>>) src(%dma_wait3A_298 : memref<8x128xf32, #tpu.memory_space<vmem>>) dst(%dma_wait3A_294 : memref<8x128xf32, #tpu.memory_space<hbm>>)
    %dma_wait3A_299 = arith.constant 1 : i32
    %dma_wait3A_300 = arith.constant 199 : i32
    %dma_wait3A_301 = arith.constant 4 : i32
    %dma_wait3A_302 = arith.constant 32 : i32
    %dma_wait3A_303 = arith.constant 0 : i32
    %dma_wait3A_304 = tpu.memref_slice %arg10[%dma_wait3A_299, %dma_wait3A_302, %dma_wait3A_303] : memref<2x64x129xf32, #tpu.memory_space<vmem>> -> memref<1x8x128xf32, #tpu.memory_space<vmem>>
    %dma_wait3A_305 = tpu.memref_squeeze %dma_wait3A_304 : memref<1x8x128xf32, #tpu.memory_space<vmem>> -> memref<8x128xf32, #tpu.memory_space<vmem>>
    %dma_wait3A_306 = arith.constant 0 : i32
    %dma_wait3A_307 = arith.constant 0 : i32
    %dma_wait3A_308 = tpu.memref_slice %arg5[%dma_wait3A_300, %dma_wait3A_301, %add3A, %dma_wait3A_306, %dma_wait3A_307] : memref<200x8x32x8x128xf32, #tpu.memory_space<hbm>> -> memref<1x1x1x8x128xf32, #tpu.memory_space<hbm>>
    %dma_wait3A_309 = tpu.memref_squeeze %dma_wait3A_308 : memref<1x1x1x8x128xf32, #tpu.memory_space<hbm>> -> memref<8x128xf32, #tpu.memory_space<hbm>>
    %dma_wait3A_310 = arith.constant 0 : i32
    %dma_wait3A_311 = arith.constant 0 : i32
    %dma_wait3A_312 = tpu.memref_slice %arg5[%dma_wait3A_300, %dma_wait3A_301, %add3A, %dma_wait3A_310, %dma_wait3A_311] : memref<200x8x32x8x128xf32, #tpu.memory_space<hbm>> -> memref<1x1x1x8x128xf32, #tpu.memory_space<hbm>>
    %dma_wait3A_313 = tpu.memref_squeeze %dma_wait3A_312 : memref<1x1x1x8x128xf32, #tpu.memory_space<hbm>> -> memref<8x128xf32, #tpu.memory_space<hbm>>
    %dma_wait3A_314 = arith.constant 32 : i32
    %dma_wait3A_315 = arith.constant 0 : i32
    %dma_wait3A_316 = tpu.memref_slice %arg10[%dma_wait3A_299, %dma_wait3A_314, %dma_wait3A_315] : memref<2x64x129xf32, #tpu.memory_space<vmem>> -> memref<1x8x128xf32, #tpu.memory_space<vmem>>
    %dma_wait3A_317 = tpu.memref_squeeze %dma_wait3A_316 : memref<1x8x128xf32, #tpu.memory_space<vmem>> -> memref<8x128xf32, #tpu.memory_space<vmem>>
    tpu.wait_dma2 semaphore(%arg12 : memref<!tpu.dma_semaphore, #tpu.memory_space<semaphore_mem>>) src(%dma_wait3A_317 : memref<8x128xf32, #tpu.memory_space<vmem>>) dst(%dma_wait3A_313 : memref<8x128xf32, #tpu.memory_space<hbm>>)
    %dma_wait3A_318 = arith.constant 1 : i32
    %dma_wait3A_319 = arith.constant 199 : i32
    %dma_wait3A_320 = arith.constant 5 : i32
    %dma_wait3A_321 = arith.constant 40 : i32
    %dma_wait3A_322 = arith.constant 0 : i32
    %dma_wait3A_323 = tpu.memref_slice %arg10[%dma_wait3A_318, %dma_wait3A_321, %dma_wait3A_322] : memref<2x64x129xf32, #tpu.memory_space<vmem>> -> memref<1x8x128xf32, #tpu.memory_space<vmem>>
    %dma_wait3A_324 = tpu.memref_squeeze %dma_wait3A_323 : memref<1x8x128xf32, #tpu.memory_space<vmem>> -> memref<8x128xf32, #tpu.memory_space<vmem>>
    %dma_wait3A_325 = arith.constant 0 : i32
    %dma_wait3A_326 = arith.constant 0 : i32
    %dma_wait3A_327 = tpu.memref_slice %arg5[%dma_wait3A_319, %dma_wait3A_320, %add3A, %dma_wait3A_325, %dma_wait3A_326] : memref<200x8x32x8x128xf32, #tpu.memory_space<hbm>> -> memref<1x1x1x8x128xf32, #tpu.memory_space<hbm>>
    %dma_wait3A_328 = tpu.memref_squeeze %dma_wait3A_327 : memref<1x1x1x8x128xf32, #tpu.memory_space<hbm>> -> memref<8x128xf32, #tpu.memory_space<hbm>>
    %dma_wait3A_329 = arith.constant 0 : i32
    %dma_wait3A_330 = arith.constant 0 : i32
    %dma_wait3A_331 = tpu.memref_slice %arg5[%dma_wait3A_319, %dma_wait3A_320, %add3A, %dma_wait3A_329, %dma_wait3A_330] : memref<200x8x32x8x128xf32, #tpu.memory_space<hbm>> -> memref<1x1x1x8x128xf32, #tpu.memory_space<hbm>>
    %dma_wait3A_332 = tpu.memref_squeeze %dma_wait3A_331 : memref<1x1x1x8x128xf32, #tpu.memory_space<hbm>> -> memref<8x128xf32, #tpu.memory_space<hbm>>
    %dma_wait3A_333 = arith.constant 40 : i32
    %dma_wait3A_334 = arith.constant 0 : i32
    %dma_wait3A_335 = tpu.memref_slice %arg10[%dma_wait3A_318, %dma_wait3A_333, %dma_wait3A_334] : memref<2x64x129xf32, #tpu.memory_space<vmem>> -> memref<1x8x128xf32, #tpu.memory_space<vmem>>
    %dma_wait3A_336 = tpu.memref_squeeze %dma_wait3A_335 : memref<1x8x128xf32, #tpu.memory_space<vmem>> -> memref<8x128xf32, #tpu.memory_space<vmem>>
    tpu.wait_dma2 semaphore(%arg12 : memref<!tpu.dma_semaphore, #tpu.memory_space<semaphore_mem>>) src(%dma_wait3A_336 : memref<8x128xf32, #tpu.memory_space<vmem>>) dst(%dma_wait3A_332 : memref<8x128xf32, #tpu.memory_space<hbm>>)
    %dma_wait3A_337 = arith.constant 1 : i32
    %dma_wait3A_338 = arith.constant 199 : i32
    %dma_wait3A_339 = arith.constant 6 : i32
    %dma_wait3A_340 = arith.constant 48 : i32
    %dma_wait3A_341 = arith.constant 0 : i32
    %dma_wait3A_342 = tpu.memref_slice %arg10[%dma_wait3A_337, %dma_wait3A_340, %dma_wait3A_341] : memref<2x64x129xf32, #tpu.memory_space<vmem>> -> memref<1x8x128xf32, #tpu.memory_space<vmem>>
    %dma_wait3A_343 = tpu.memref_squeeze %dma_wait3A_342 : memref<1x8x128xf32, #tpu.memory_space<vmem>> -> memref<8x128xf32, #tpu.memory_space<vmem>>
    %dma_wait3A_344 = arith.constant 0 : i32
    %dma_wait3A_345 = arith.constant 0 : i32
    %dma_wait3A_346 = tpu.memref_slice %arg5[%dma_wait3A_338, %dma_wait3A_339, %add3A, %dma_wait3A_344, %dma_wait3A_345] : memref<200x8x32x8x128xf32, #tpu.memory_space<hbm>> -> memref<1x1x1x8x128xf32, #tpu.memory_space<hbm>>
    %dma_wait3A_347 = tpu.memref_squeeze %dma_wait3A_346 : memref<1x1x1x8x128xf32, #tpu.memory_space<hbm>> -> memref<8x128xf32, #tpu.memory_space<hbm>>
    %dma_wait3A_348 = arith.constant 0 : i32
    %dma_wait3A_349 = arith.constant 0 : i32
    %dma_wait3A_350 = tpu.memref_slice %arg5[%dma_wait3A_338, %dma_wait3A_339, %add3A, %dma_wait3A_348, %dma_wait3A_349] : memref<200x8x32x8x128xf32, #tpu.memory_space<hbm>> -> memref<1x1x1x8x128xf32, #tpu.memory_space<hbm>>
    %dma_wait3A_351 = tpu.memref_squeeze %dma_wait3A_350 : memref<1x1x1x8x128xf32, #tpu.memory_space<hbm>> -> memref<8x128xf32, #tpu.memory_space<hbm>>
    %dma_wait3A_352 = arith.constant 48 : i32
    %dma_wait3A_353 = arith.constant 0 : i32
    %dma_wait3A_354 = tpu.memref_slice %arg10[%dma_wait3A_337, %dma_wait3A_352, %dma_wait3A_353] : memref<2x64x129xf32, #tpu.memory_space<vmem>> -> memref<1x8x128xf32, #tpu.memory_space<vmem>>
    %dma_wait3A_355 = tpu.memref_squeeze %dma_wait3A_354 : memref<1x8x128xf32, #tpu.memory_space<vmem>> -> memref<8x128xf32, #tpu.memory_space<vmem>>
    tpu.wait_dma2 semaphore(%arg12 : memref<!tpu.dma_semaphore, #tpu.memory_space<semaphore_mem>>) src(%dma_wait3A_355 : memref<8x128xf32, #tpu.memory_space<vmem>>) dst(%dma_wait3A_351 : memref<8x128xf32, #tpu.memory_space<hbm>>)
    %dma_wait3A_356 = arith.constant 1 : i32
    %dma_wait3A_357 = arith.constant 199 : i32
    %dma_wait3A_358 = arith.constant 7 : i32
    %dma_wait3A_359 = arith.constant 56 : i32
    %dma_wait3A_360 = arith.constant 0 : i32
    %dma_wait3A_361 = tpu.memref_slice %arg10[%dma_wait3A_356, %dma_wait3A_359, %dma_wait3A_360] : memref<2x64x129xf32, #tpu.memory_space<vmem>> -> memref<1x8x128xf32, #tpu.memory_space<vmem>>
    %dma_wait3A_362 = tpu.memref_squeeze %dma_wait3A_361 : memref<1x8x128xf32, #tpu.memory_space<vmem>> -> memref<8x128xf32, #tpu.memory_space<vmem>>
    %dma_wait3A_363 = arith.constant 0 : i32
    %dma_wait3A_364 = arith.constant 0 : i32
    %dma_wait3A_365 = tpu.memref_slice %arg5[%dma_wait3A_357, %dma_wait3A_358, %add3A, %dma_wait3A_363, %dma_wait3A_364] : memref<200x8x32x8x128xf32, #tpu.memory_space<hbm>> -> memref<1x1x1x8x128xf32, #tpu.memory_space<hbm>>
    %dma_wait3A_366 = tpu.memref_squeeze %dma_wait3A_365 : memref<1x1x1x8x128xf32, #tpu.memory_space<hbm>> -> memref<8x128xf32, #tpu.memory_space<hbm>>
    %dma_wait3A_367 = arith.constant 0 : i32
    %dma_wait3A_368 = arith.constant 0 : i32
    %dma_wait3A_369 = tpu.memref_slice %arg5[%dma_wait3A_357, %dma_wait3A_358, %add3A, %dma_wait3A_367, %dma_wait3A_368] : memref<200x8x32x8x128xf32, #tpu.memory_space<hbm>> -> memref<1x1x1x8x128xf32, #tpu.memory_space<hbm>>
    %dma_wait3A_370 = tpu.memref_squeeze %dma_wait3A_369 : memref<1x1x1x8x128xf32, #tpu.memory_space<hbm>> -> memref<8x128xf32, #tpu.memory_space<hbm>>
    %dma_wait3A_371 = arith.constant 56 : i32
    %dma_wait3A_372 = arith.constant 0 : i32
    %dma_wait3A_373 = tpu.memref_slice %arg10[%dma_wait3A_356, %dma_wait3A_371, %dma_wait3A_372] : memref<2x64x129xf32, #tpu.memory_space<vmem>> -> memref<1x8x128xf32, #tpu.memory_space<vmem>>
    %dma_wait3A_374 = tpu.memref_squeeze %dma_wait3A_373 : memref<1x8x128xf32, #tpu.memory_space<vmem>> -> memref<8x128xf32, #tpu.memory_space<vmem>>
    tpu.wait_dma2 semaphore(%arg12 : memref<!tpu.dma_semaphore, #tpu.memory_space<semaphore_mem>>) src(%dma_wait3A_374 : memref<8x128xf32, #tpu.memory_space<vmem>>) dst(%dma_wait3A_370 : memref<8x128xf32, #tpu.memory_space<hbm>>)
    return
  }
}

</mosaic_0001>

<sc_bundles>
// kernel: kernel.4.cloned.1.call-start
scs
__scs_entry_jumppad:
0x0: {  	(pc) =	sbr.rel $0x88, $3  }
0x1: {  	(tag) =	ssettag $0x0;
	lr =	simm.s32 $0x1  }
0x2: {  	[smem:$0x3F9E] =	sst lr;
	_ =	strace $0xD0000000  }
0x3: {  	_ = 	snop  }
0x4: {  	_ = 	snop  }
0x5: {  	_ = 	snop  }
0x6: {  	_ = 	snop  }
0x7: {  	_ = 	snop  }
__scs_overlays_trampoline_lowered:
0x8: {  	[smem:$0x3FAD] =	sst s0  }
0x9: {  	[smem:$0x3FAE] =	sst s1  }
0xa: {  	[smem:$0x3FAF] =	sst s2  }
0xb: {  	[smem:$0x3FB0] =	sst s3  }
0xc: {  	[smem:$0x3FB1] =	sst s4  }
0xd: {  	[smem:$0x3FB2] =	sst s5  }
0xe: {  	[smem:$0x3FB3] =	sst s6  }
0xf: {  	[smem:$0x3FB4] =	sst s7  }
0x10: {  	[smem:$0x3FB5] =	sst s8  }
0x11: {  	[smem:$0x3FB6] =	sst s9;
	s0 =	simm.s32 @!p0 $0x0  }
0x12: {  	s1 =	sld [smem:$0x3F9C];
	s0 =	simm.s32 @p0 $0x1  }
0x13: {  	[smem:$0x3FB7] =	sst s0;
	s0 =	simm.s32 @!p1 $0x0  }
0x14: {  	s2 =	sld [smem:$0x3F9B];
	s0 =	simm.s32 @p1 $0x1  }
0x15: {  	[smem:$0x3FB8] =	sst s0;
	s0 =	simm.s32 @!p2 $0x0  }
0x16: {  	s3 =	sld [smem:$0x3FDB];
	s0 =	simm.s32 @p2 $0x1  }
0x17: {  	s4 =	simm.s32 $0x1BF5;
	[smem:$0x3FBA] =	sst s0  }
0x18: {  	s0 =	sld [smem:$0x3F9D];
	_ =	swait.ge [sflag:s4], $0x0  }
0x19: {  	s7 =	sld [smem:$0x3F9E]  }
0x1a: {  	s8 =	sadd.s32 $0xFFFFE003, lr  }
0x1b: {  	s9 =	sadd.s32 $0xFFFFFEF7, lr;
	s5 =	simm.s32 $0xFFFFFFFF;
	p2 =	slt.u32 s8, $0xFFFFF086  }
0x1c: {  	p1 =	slt.u32 s9, $0xF7A;
	s5 =	simm.s32 @!p2 $0x0  }
0x1d: {  	s5 =	simm.s32 @p1 $0x1;
	p0 =	seq.s32 s7, s2  }
0x1e: {  	s7 =	smul.u32 @!p0 $0xF7A, s2;
	p2 =	seq.s32 @!p0 s5, $0x0  }
0x1f: {  	s9 =	smul.u32 $0xF7A, s1;
	s8 =	simm.s32 @!p0 $0x1BF5;
	p2 =	por !p2, p0  }
0x20: {  	[sflag:s8] =	ssyncset.s32 @!p0 $0xFFFFF086;
	s6 =	sadd.s32 @!p0 s3, s7;
	s7 =	simm.s32 @!p0 $0x108  }
0x21: {  	s3 =	sadd.s32 s3, s9;
	s6 =	sadd.s32 @!p0 $0x88, s6;
	s7 =	simm.s32 @p2 $0x1082  }
0x22: {  	[simem:s7], [sflag:s8] =	dma.local @!p0 [hbm:s6], $0xF7A  }
0x23: {  	s9 =	sor.u32 $0xD0000000, s2;
	s6 =	simm.s32 $0x108;
	_ =	swait.ge @!p0 [sflag:s8], $0x0  }
0x24: {  	s3 =	sadd.s32 $0x88, s3;
	s6 =	simm.s32 @!p1 $0x1082;
	[sflag:s4] =	ssyncset.s32 $0xFFFFF086  }
0x25: {  	[simem:s6], [sflag:s4] =	dma.local [hbm:s3], $0xF7A  }
0x26: {  	[smem:$0x3F9E] =	sst s1;
	(tag) =	ssettag s2;
	_ =	strace s9  }
0x27: {  	s1 =	sld [smem:$0x3FAE]  }
0x28: {  	s2 =	sld [smem:$0x3FAF]  }
0x29: {  	s4 =	sld [smem:$0x3FB1]  }
0x2a: {  	p0 =	seq.s32 s5, $0x0;
	s5 =	sld [smem:$0x3FB2]  }
0x2b: {  	s6 =	sld [smem:$0x3FB3]  }
0x2c: {  	s7 =	sld [smem:$0x3FB4]  }
0x2d: {  	s3 =	simm.s32 $0x108;
	s8 =	sld [smem:$0x3FB5]  }
0x2e: {  	s3 =	simm.s32 @!p0 $0x1082;
	s9 =	sld [smem:$0x3FB6]  }
0x2f: {  	lr =	sadd.s32 s0, s3;
	s0 =	sld [smem:$0x3FAD]  }
0x30: {  	s3 =	sld [smem:$0x3FB0]  }
0x31: {  	[smem:$0x3FB9] =	sst s10  }
0x32: {  	s10 =	sld [smem:$0x3FB7];
	_ =	sdelay $0x3  }
0x33: {  	p0 =	seq.s32 s10, $0x1;
	s10 =	sld [smem:$0x3FB9];
	_ =	sdelay $0x3  }
0x34: {  	[smem:$0x3FB9] =	sst s10  }
0x35: {  	s10 =	sld [smem:$0x3FB8];
	_ =	sdelay $0x3  }
0x36: {  	p1 =	seq.s32 s10, $0x1;
	s10 =	sld [smem:$0x3FB9];
	_ =	sdelay $0x3  }
0x37: {  	[smem:$0x3FB9] =	sst s10  }
0x38: {  	s10 =	sld [smem:$0x3FBA]  }
0x39: {  	_ = 	snop;
	(pc) =	sbr.ind lr, $3  }
0x3a: {  	_ = 	snop  }
0x3b: {  	_ = 	snop  }
0x3c: {  	p2 =	seq.s32 s10, $0x1;
	s10 =	sld [smem:$0x3FB9]  }
0x3d: {  	_ =	shalt  }
0x3e: {  	_ =	shalt  }
0x3f: {  	_ =	shalt  }
0x40: {  	_ =	shalt  }
0x41: {  	_ =	shalt  }
0x42: {  	_ =	shalt  }
0x43: {  	_ =	shalt  }
0x44: {  	_ =	shalt  }
0x45: {  	_ =	shalt  }
0x46: {  	_ =	shalt  }
0x47: {  	_ =	shalt  }
0x48: {  	_ =	shalt  }
0x49: {  	_ =	shalt  }
0x4a: {  	_ =	shalt  }
0x4b: {  	_ =	shalt  }
0x4c: {  	_ =	shalt  }
0x4d: {  	_ =	shalt  }
0x4e: {  	_ =	shalt  }
0x4f: {  	_ =	shalt  }
0x50: {  	_ =	shalt  }
0x51: {  	_ =	shalt  }
0x52: {  	_ =	shalt  }
0x53: {  	_ =	shalt  }
0x54: {  	_ =	shalt  }
0x55: {  	_ =	shalt  }
0x56: {  	_ =	shalt  }
0x57: {  	_ =	shalt  }
0x58: {  	_ =	shalt  }
0x59: {  	_ =	shalt  }
0x5a: {  	_ =	shalt  }
0x5b: {  	_ =	shalt  }
0x5c: {  	_ =	shalt  }
0x5d: {  	_ =	shalt  }
0x5e: {  	_ =	shalt  }
0x5f: {  	_ =	shalt  }
0x60: {  	_ =	shalt  }
0x61: {  	_ =	shalt  }
0x62: {  	_ =	shalt  }
0x63: {  	_ =	shalt  }
0x64: {  	_ =	shalt  }
0x65: {  	_ =	shalt  }
0x66: {  	_ =	shalt  }
0x67: {  	_ =	shalt  }
0x68: {  	_ =	shalt  }
0x69: {  	_ =	shalt  }
0x6a: {  	_ =	shalt  }
0x6b: {  	_ =	shalt  }
0x6c: {  	_ =	shalt  }
0x6d: {  	_ =	shalt  }
0x6e: {  	_ =	shalt  }
0x6f: {  	_ =	shalt  }
0x70: {  	_ =	shalt  }
0x71: {  	_ =	shalt  }
0x72: {  	_ =	shalt  }
0x73: {  	_ =	shalt  }
0x74: {  	_ =	shalt  }
0x75: {  	_ =	shalt  }
0x76: {  	_ =	shalt  }
0x77: {  	_ =	shalt  }
0x78: {  	_ =	shalt  }
0x79: {  	_ =	shalt  }
0x7a: {  	_ =	shalt  }
0x7b: {  	_ =	shalt  }
0x7c: {  	_ =	shalt  }
0x7d: {  	_ =	shalt  }
0x7e: {  	_ =	shalt  }
0x7f: {  	_ =	shalt  }
0x80: {  	_ =	shalt  }
0x81: {  	_ =	shalt  }
0x82: {  	_ =	shalt  }
0x83: {  	_ =	shalt  }
0x84: {  	_ =	shalt  }
0x85: {  	_ =	shalt  }
0x86: {  	_ =	shalt  }
0x87: {  	_ =	shalt  }
.Lfunc_end0:
.L_simem_size_0:
called_computation_lowered:
.L_overlay_start_0:
0x88: {  	s2 =	sld [smem:$0x3FD9]  }
0x89: {  	s3 =	sld [smem:$0x3FFE];
	_ =	sdelay $0x1  }
0x8a: {  	s1 =	srdreg.scid  }
0x8b: {  	s0 =	sand.u32 $0x1, s1  }
0x8c: {  	s17 =	sshll.u32 s0, $0xA;
	s2 =	sadd.s32 s3, s2  }
0x8d: {  	s2 =	sadd.s32 s2, s17  }
0x8e: {  	[smem:$0x3FC5] =	sst s2  }
0x8f: {  	_ = 	snop  }
0x90: {  	s2 =	sld [smem:$0x3FC8];
	(tm) =	ssettm $0x1  }
0x91: {  	s18 =	sld [smem:$0x3FFB];
	_ =	sdelay $0x3  }
0x92: {  	_ =	strace s18  }
0x93: {  	s3 =	sld [smem:$0x3FFC];
	_ =	sdelay $0x3  }
0x94: {  	_ =	strace s3  }
0x95: {  	s3 =	sld [smem:$0x3FFD];
	_ =	sdelay $0x3  }
0x96: {  	_ =	strace s3  }
0x97: {  	_ =	strace $0x8FFFFFFF  }
0x98: {  	s19 =	sld [smem:$0x3FDB];
	_ =	sdelay $0x1  }
0x99: {  	s4 =	simm.s32 $_scs_section_size  }
0x9a: {  	s5 =	simm.s32 $_size__tile_overlayer_lowered;
	s6 =	simm.s32 $_tile_overlayer_lowered  }
0x9b: {  	s22 =	simm.s32 $0x1BFF;
	s21 =	sshll.u32 s6, $0x1;
	s3 =	sadd.s32 s4, s19  }
0x9c: {  	s7 =	simm.s32 $0x0;
	s20 =	sshll.u32 s5, $0x1;
	s5 =	sadd.s32 s21, s3  }
0x9d: {  	[timem:s7], [sflag:s22] =	dma.local [hbm:s5], s20  }
0x9e: {  	_ =	swait.ge [sflag:s22], s20  }
0x9f: {  	s4 =	ssub.s32 $0x0, s20;
	[sflag:s22] =	ssyncset.done $0x0  }
0xa0: {  	[sflag:s22] =	ssyncadd.s32 s4;
	_ =	sdelay $0x1  }
0xa1: {  	s23 =	simm.s32 $0x1B8B  }
0xa2: {  	_ =	swait.ge [sflag:s23], $0x1  }
0xa3: {  	[sflag:s23] =	ssyncset.done $0x0  }
0xa4: {  	s25 =	simm.s32 $0x1B8E;
	s24 =	sld [smem:$0x3FFE];
	[sflag:s23] =	ssyncadd.s32 $0xFFFFFFFF  }
0xa5: {  	s26 =	simm.s32 $execute0_lowered;
	[smem:$0x3FD2] =	sst s25  }
0xa6: {  	s5 =	sshll.u32 s26, $0x1;
	_ =	strace $0x80000046;
	[dreg:$0x1] =	wrdreg $0xFFFFFFFF  }
0xa7: {  	s28 =	simm.s32 $_size_execute0_lowered;
	s3 =	sadd.s32 s3, s5;
	[dreg:$0x0] =	wrdreg $0x0  }
0xa8: {  	s5 =	sshll.u32 s28, $0x1;
	[dreg:$0x2] =	wrdreg s3  }
0xa9: {  	[dreg:$0x3] =	wrdreg s5  }
0xaa: {  	[dreg:$0x4] =	wrdreg $0xC0  }
0xab: {  	_ =	task [dreg:s7], $0x5FFFF  }
0xac: {  	[dreg:$0x1] =	wrdreg $0xFFFFFFFF  }
0xad: {  	[dreg:$0x0] =	wrdreg $0x60  }
0xae: {  	[dreg:$0x2] =	wrdreg s2  }
0xaf: {  	[dreg:$0x3] =	wrdreg s24  }
0xb0: {  	[dreg:$0x4] =	wrdreg $0x9  }
0xb1: {  	_ =	task.clear_ibuf [dreg:s7], $0x5FFFF;
	_ =	strace $0x90000046  }
0xb2: {  	s29 =	simm.s32 $0x9;
	_ =	strace $0x80000048  }
0xb3: {  	_ =	swait.ge [sflag:s29], $0x1  }
0xb4: {  	[sflag:s29] =	ssyncadd.s32 $0xFFFFFFFF  }
0xb5: {  	_ =	strace $0x90000048  }
0xb6: {  	_ =	sfence  }
0xb7: {  	s30 =	sld [smem:$0x0];
	_ =	sdelay $0x2  }
0xb8: {  	s31 =	sshll.u32 s1, $0xD;
	s1 =	sshrl.u32 s1, $0x2  }
0xb9: {  	s3 =	sand.u32 $0x4000, s31;
	s1 =	sadd.s32 s1, s30  }
0xba: {  	s0 =	sor.u32 s3, s0;
	s1 =	sshll.u32 s1, $0x11  }
0xbb: {  	s0 =	sor.u32 s1, s0  }
0xbc: {  	s0 =	sadd.s32 $0x8F2B, s0  }
0xbd: {  	[sflag:s0] =	ssyncadd.remote.s32 $0x1  }
0xbe: {  	_ =	sfence.sel $0xFFFF  }
0xbf: {  	[dreg:$0x0] =	wrdreg $0xFFFFFFFF;
	(pc) =	sbr.abs _section_cstart, $3  }
0xc0: {  	[dreg:$0x1] =	wrdreg $0xFFFFFFFF  }
0xc1: {  	_ =	task.clear_ibuf [dreg:s7], $0x2FFFF;
	_ =	strace $0x9FFFFFFF  }
0xc2: {  	(tm) =	ssettm $0x7FFFFFFF  }
0xc3: {  	_ =	shalt  }
tec
execute0_lowered:
.L_overlay_start_1:
0x0: {  	(tag) =	ssettag $0x1  }
0x1: {  	v0 =	vimm.s32 $0xB80  }
0x2: {  	vm14 =	vcmask $0x300;
	vm13 =	vcmask $0x704;
	vm12 =	vcmask $0xB08  }
0x3: {  	vm11 =	vcmask $0xF0C;
	vm10 =	vcmask $0x1310;
	vm9 =	vcmask $0x1714  }
0x4: {  	vm8 =	vcmask $0x1B18;
	vm7 =	vcmask $0x1F1C;
	vm6 =	vcmask $0x2320  }
0x5: {  	vm5 =	vcmask $0x2724;
	vm4 =	vcmask $0x2B28;
	vm3 =	vcmask $0x2F2C  }
0x6: {  	vm2 =	vcmask $0x3330;
	vm1 =	vcmask $0x3734;
	vm0 =	vcmask $0x3B38  }
0x7: {  	v1 =	vimm.s32 $0x1B80;
	v2 =	vimm.s32 $0x2B80;
	v3 =	vimm.s32 $0x3B80  }
0x8: {  	v0 =	vsel vm14, $0x0, v0;
	v1 =	vsel vm14, $0x1000, v1;
	v2 =	vsel vm14, $0x2000, v2  }
0x9: {  	v3 =	vsel vm14, $0x3000, v3;
	v0 =	vsel vm13, $0x80, v0;
	v1 =	vsel vm13, $0x1080, v1  }
0xa: {  	v2 =	vsel vm13, $0x2080, v2;
	v3 =	vsel vm13, $0x3080, v3;
	v0 =	vsel vm12, $0x100, v0  }
0xb: {  	v1 =	vsel vm12, $0x1100, v1;
	v2 =	vsel vm12, $0x2100, v2;
	v3 =	vsel vm12, $0x3100, v3  }
0xc: {  	v0 =	vsel vm11, $0x180, v0;
	v1 =	vsel vm11, $0x1180, v1;
	v2 =	vsel vm11, $0x2180, v2  }
0xd: {  	v3 =	vsel vm11, $0x3180, v3;
	v0 =	vsel vm10, $0x200, v0;
	v1 =	vsel vm10, $0x1200, v1  }
0xe: {  	v2 =	vsel vm10, $0x2200, v2;
	v3 =	vsel vm10, $0x3200, v3;
	v0 =	vsel vm9, $0x280, v0  }
0xf: {  	s0 =	rddreg [dreg:$0x0];
	v1 =	vsel vm9, $0x1280, v1;
	v2 =	vsel vm9, $0x2280, v2;
	v3 =	vsel vm9, $0x3280, v3  }
0x10: {  	s1 =	srdreg.scid;
	s16 =	stileid.u32;
	v0 =	vsel vm8, $0x300, v0;
	v1 =	vsel vm8, $0x1300, v1;
	v2 =	vsel vm8, $0x2300, v2  }
0x11: {  	s2 =	rddreg [dreg:$0x1];
	s3 =	simm.s32 $0x0;
	s17 =	simm.s32 $0x1000;
	v3 =	vsel vm8, $0x3300, v3;
	v0 =	vsel vm7, $0x380, v0;
	v1 =	vsel vm7, $0x1380, v1  }
0x12: {  	s18 =	simm.s32 $0x1800;
	s19 =	simm.s32 $0x2000;
	s20 =	simm.s32 $0x2800;
	v2 =	vsel vm7, $0x2380, v2;
	v3 =	vsel vm7, $0x3380, v3;
	v0 =	vsel vm6, $0x800, v0  }
0x13: {  	s21 =	simm.s32 $0x3000;
	s1 =	sand.u32 $0x1, s1;
	s4 =	sshll.u32 s16, $0x1;
	v1 =	vsel vm6, $0x1800, v1;
	v2 =	vsel vm6, $0x2800, v2;
	v3 =	vsel vm6, $0x3800, v3  }
0x14: {  	s22 =	simm.s32 $0x3800;
	s23 =	simm.s32 $0x1;
	s4 =	sor.u32 s1, s4;
	v0 =	vsel vm5, $0x880, v0;
	v1 =	vsel vm5, $0x1880, v1;
	v2 =	vsel vm5, $0x2880, v2  }
0x15: {  	s24 =	simm.s32 $0x2;
	[smem:$0x7FF] =	sst s3;
	s5 =	sshll.u32 s4, $0x7;
	v3 =	vsel vm5, $0x3880, v3;
	v0 =	vsel vm4, $0x900, v0;
	v1 =	vsel vm4, $0x1900, v1  }
0x16: {  	s10 =	sadd.s32 $0xC00, s2;
	_ =	strace $0x80000047;
	s5 =	sadd.s32 s0, s5;
	v2 =	vsel vm4, $0x2900, v2;
	v3 =	vsel vm4, $0x3900, v3;
	v0 =	vsel vm3, $0x980, v0  }
.Ltmp0:
0x17: {  	s25 =	simm.s32 $0x0;
	s6 =	sadd.s32 $0x1E8500, s5;
	v1 =	vsel vm3, $0x1980, v1;
	v2 =	vsel vm3, $0x2980, v2;
	v3 =	vsel vm3, $0x3980, v3;
	(pc) =	sbr.rel .LBB2_1-.Ltmp0, $4  }
0x18: {  	s1 =	ssub.s32 $0x2, s1;
	s7 =	sadd.s32 $0x2DC780, s5;
	s8 =	sadd.s32 $0x3D0A00, s5;
	v0 =	vsel vm2, $0xA00, v0;
	v1 =	vsel vm2, $0x1A00, v1;
	v2 =	vsel vm2, $0x2A00, v2  }
0x19: {  	p0 =	sgt.u32 s16, $0x1;
	s11 =	sshrl.u32 s1, $0x1;
	s9 =	sadd.s32 $0x4C4C80, s5;
	v3 =	vsel vm2, $0x3A00, v3;
	v0 =	vsel vm1, $0xA80, v0;
	v1 =	vsel vm1, $0x1A80, v1  }
0x1a: {  	s12 =	sor.u32 $0x20, s4;
	s1 =	ssub.s32 s1, s11;
	s11 =	sadd.s32 $0x5B8F00, s5;
	v2 =	vsel vm1, $0x2A80, v2;
	v3 =	vsel vm1, $0x3A80, v3;
	v0 =	vsel vm0, $0xB00, v0  }
0x1b: {  	s13 =	smax.u32 s1, $0x1;
	s14 =	sadd.s32 $0x6AD180, s5;
	s15 =	sadd.s32 $0xF4280, s5;
	v1 =	vsel vm0, $0x1B00, v1;
	v2 =	vsel vm0, $0x2B00, v2;
	v3 =	vsel vm0, $0x3B00, v3  }
.LBB2_7:
0x1c: {  	s25 =	sadd.s32 $0x1, s25  }
0x1d: {  	_ =	swait.ge [sflag:s24], $0x2000;
	p1 =	sne.s32 s25, s13  }
.Ltmp1:
0x1e: {  	[sflag:s24] =	ssyncset.done $0x0;
	(pc) =	sbr.rel @!p1 .LBB2_8-.Ltmp1, $4  }
0x1f: {  	s1 =	simm.s32 @!p0 $0x2;
	[sflag:s24] =	ssyncadd.s32 $0xFFFFE000  }
0x20: {  	_ =	swait.ge @!p0 [sflag:s1], $0x2000  }
0x21: {  	[sflag:s1] =	ssyncset.done @!p0 $0x0  }
0x22: {  	[sflag:s1] =	ssyncadd.s32 @!p0 $0xFFFFE000  }
.LBB2_1:
0x23: {  	[tilespmem:s3], [sflag:$0x1] =	stream.linear.gather [hbm4b:s5+s3], $0x400, $0x38;
	[tilespmem:$0xC000] =	vst v63  }
0x24: {  	s1 =	simm.s32 $0x800  }
0x25: {  	[tilespmem:s1], [sflag:$0x1] =	stream.linear.gather [hbm4b:s15+s3], $0x400, $0x38;
	[tilespmem:$0xC000] =	vst v63  }
0x26: {  	_ = 	snop  }
0x27: {  	[tilespmem:s17], [sflag:$0x1] =	stream.linear.gather [hbm4b:s6+s3], $0x400, $0x38;
	[tilespmem:$0xC000] =	vst v63  }
0x28: {  	_ = 	snop  }
0x29: {  	[tilespmem:s18], [sflag:$0x1] =	stream.linear.gather [hbm4b:s7+s3], $0x400, $0x38;
	[tilespmem:$0xC000] =	vst v63  }
0x2a: {  	_ = 	snop  }
0x2b: {  	[tilespmem:s19], [sflag:$0x1] =	stream.linear.gather [hbm4b:s8+s3], $0x400, $0x38;
	[tilespmem:$0xC000] =	vst v63  }
0x2c: {  	_ = 	snop  }
0x2d: {  	[tilespmem:s20], [sflag:$0x1] =	stream.linear.gather [hbm4b:s9+s3], $0x400, $0x38;
	[tilespmem:$0xC000] =	vst v63  }
.Ltmp2:
0x2e: {  	_ = 	snop;
	(pc) =	sbr.rel .LBB2_2-.Ltmp2, $4  }
0x2f: {  	_ = 	snop  }
0x30: {  	[tilespmem:s21], [sflag:$0x1] =	stream.linear.gather [hbm4b:s11+s3], $0x400, $0x38;
	[tilespmem:$0xC000] =	vst v63  }
0x31: {  	p1 =	por $0x0, $0x0;
	s26 =	simm.s32 $0x0  }
0x32: {  	[tilespmem:s22], [sflag:$0x1] =	stream.linear.gather [hbm4b:s14+s3], $0x400, $0x38;
	[tilespmem:$0xC000] =	vst v63  }
.LBB2_6:
0x33: {  	s26 =	sadd.s32 $0x1, s26  }
0x34: {  	p2 =	sne.s32 s26, $0xF5  }
.Ltmp3:
0x35: {  	_ = 	snop;
	(pc) =	sbr.rel @!p2 .LBB2_7-.Ltmp3, $2  }
0x36: {  	_ =	sdelay $0x2  }
0x37: {  	p1 =	por !p1, !p1  }
.LBB2_2:
0x38: {  	s1 =	sshll.u32 s26, $0x5  }
0x39: {  	s28 =	sor.u32 s4, s1  }
0x3a: {  	p3 =	sgt.u32 s28, $0x1E83  }
.Ltmp4:
0x3b: {  	p2 =	slt.u32 s26, $0x2;
	(pc) =	sbr.rel @p3 .LBB2_6-.Ltmp4, $4  }
0x3c: {  	s2 =	simm.s32 @!p2 $0x2  }
0x3d: {  	_ =	swait.ge @!p2 [sflag:s2], $0x2000  }
0x3e: {  	[sflag:s2] =	ssyncset.done @!p2 $0x0  }
0x3f: {  	[sflag:s2] =	ssyncadd.s32 @!p2 $0xFFFFE000  }
0x40: {  	s1 =	sadd.s32 s12, s1  }
0x41: {  	s2 =	sand.u32 $0x1, s26;
	p2 =	sgt.u32 s1, $0x1E83  }
0x42: {  	s29 =	sshll.u32 @!p2 s2, $0xE;
	s1 =	sshll.u32 @!p2 s1, $0x7  }
0x43: {  	s31 =	simm.s32 @!p2 $0x0;
	s30 =	sxor.u32 @!p2 $0x4000, s29;
	s1 =	sadd.s32 @!p2 s0, s1  }
0x44: {  	[tilespmem:s30], [sflag:$0x1] =	stream.linear.gather @!p2 [hbm4b:s1+s31], $0x400, $0x38;
	[tilespmem:$0xC000] =	vst v63  }
0x45: {  	s16 =	sxor.u32 @!p2 $0x4800, s29;
	s30 =	sadd.s32 @!p2 $0xF4280, s1  }
0x46: {  	[tilespmem:s16], [sflag:$0x1] =	stream.linear.gather @!p2 [hbm4b:s30+s31], $0x400, $0x38;
	[tilespmem:$0xC000] =	vst v63  }
0x47: {  	s16 =	sadd.s32 @!p2 $0x1E8500, s1;
	s30 =	sxor.u32 @!p2 $0x5000, s29  }
0x48: {  	[tilespmem:s30], [sflag:$0x1] =	stream.linear.gather @!p2 [hbm4b:s16+s31], $0x400, $0x38;
	[tilespmem:$0xC000] =	vst v63  }
0x49: {  	s16 =	sadd.s32 @!p2 $0x2DC780, s1;
	s30 =	sxor.u32 @!p2 $0x5800, s29  }
0x4a: {  	[tilespmem:s30], [sflag:$0x1] =	stream.linear.gather @!p2 [hbm4b:s16+s31], $0x400, $0x38;
	[tilespmem:$0xC000] =	vst v63  }
0x4b: {  	s16 =	sadd.s32 @!p2 $0x3D0A00, s1;
	s30 =	sxor.u32 @!p2 $0x6000, s29  }
0x4c: {  	[tilespmem:s30], [sflag:$0x1] =	stream.linear.gather @!p2 [hbm4b:s16+s31], $0x400, $0x38;
	[tilespmem:$0xC000] =	vst v63  }
0x4d: {  	s16 =	sadd.s32 @!p2 $0x4C4C80, s1;
	s30 =	sxor.u32 @!p2 $0x6800, s29  }
0x4e: {  	[tilespmem:s30], [sflag:$0x1] =	stream.linear.gather @!p2 [hbm4b:s16+s31], $0x400, $0x38;
	[tilespmem:$0xC000] =	vst v63  }
0x4f: {  	s16 =	sadd.s32 @!p2 $0x5B8F00, s1;
	s30 =	sxor.u32 @!p2 $0x7000, s29  }
0x50: {  	[tilespmem:s30], [sflag:$0x1] =	stream.linear.gather @!p2 [hbm4b:s16+s31], $0x400, $0x38;
	[tilespmem:$0xC000] =	vst v63  }
0x51: {  	s16 =	simm.s32 $0x0  }
0x52: {  	s1 =	sadd.s32 @!p2 $0x6AD180, s1;
	s29 =	sxor.u32 @!p2 $0x7800, s29;
	v4 =	vor.u32 s16, v0  }
0x53: {  	[tilespmem:s29], [sflag:$0x1] =	stream.linear.gather @!p2 [hbm4b:s1+s31], $0x400, $0x38;
	[tilespmem:$0xC000] =	vst v63  }
0x54: {  	_ =	swait.ge [sflag:s23], $0x2000  }
0x55: {  	[sflag:s23] =	ssyncset.done $0x0  }
0x56: {  	s29 =	sshll.u32 s2, $0xE;
	[sflag:s23] =	ssyncadd.s32 $0xFFFFE000  }
0x57: {  	v4 =	vld.idx.msk [tilespmem:v4+s29+$0x0], $0xffff  }
0x58: {  	v5 =	vor.u32 s16, v1;
	s1 =	simm.s32 $0x1  }
0x59: {  	s1 =	simm.s32 @!p1 $0x0  }
0x5a: {  	s1 =	sshll.u32 s1, $0xD  }
0x5b: {  	s31 =	sor.u32 $0x8040, s1  }
0x5c: {  	[tilespmem:s31+$0xFFFFFFC0] =	vst v4  }
0x5d: {  	v4 =	vld.idx.msk [tilespmem:v5+s29+$0x0], $0xffff  }
0x5e: {  	v5 =	vor.u32 s16, v2;
	_ =	sdelay $0x3  }
0x5f: {  	[tilespmem:s31+$0xFFFFFFD0] =	vst v4  }
0x60: {  	v4 =	vld.idx.msk [tilespmem:v5+s29+$0x0], $0xffff  }
0x61: {  	v5 =	vor.u32 s16, v3;
	_ =	sdelay $0x3  }
0x62: {  	[tilespmem:s31+$0xFFFFFFE0] =	vst v4  }
0x63: {  	s16 =	simm.s32 $0x1;
	v4 =	vld.idx.msk [tilespmem:v5+s29+$0x0], $0xffff  }
0x64: {  	v5 =	vor.u32 s16, v0;
	_ =	sdelay $0x3  }
0x65: {  	[tilespmem:s31+$0xFFFFFFF0] =	vst v4  }
0x66: {  	v4 =	vld.idx.msk [tilespmem:v5+s29+$0x0], $0xffff  }
0x67: {  	v5 =	vor.u32 s16, v1;
	_ =	sdelay $0x3  }
0x68: {  	[tilespmem:s31+$0x0] =	vst v4  }
0x69: {  	v4 =	vld.idx.msk [tilespmem:v5+s29+$0x0], $0xffff  }
0x6a: {  	v5 =	vor.u32 s16, v2;
	_ =	sdelay $0x3  }
0x6b: {  	[tilespmem:s31+$0x10] =	vst v4  }
0x6c: {  	v4 =	vld.idx.msk [tilespmem:v5+s29+$0x0], $0xffff  }
0x6d: {  	v5 =	vor.u32 s16, v3;
	_ =	sdelay $0x3  }
0x6e: {  	[tilespmem:s31+$0x20] =	vst v4  }
0x6f: {  	s16 =	sshll.u32 s2, $0xD;
	s2 =	simm.s32 $0x2;
	v4 =	vld.idx.msk [tilespmem:v5+s29+$0x0], $0xffff  }
0x70: {  	s1 =	simm.s32 $0x4;
	s30 =	sor.u32 $0x8000, s16;
	v5 =	vor.u32 s2, v0  }
.LBB2_4:
0x71: {  	p2 =	sne.s32 s1, $0x7E;
	_ =	sdelay $0x2  }
0x72: {  	[tilespmem:s31+$0x30] =	vst v4  }
0x73: {  	v4 =	vld.idx.msk [tilespmem:v5+s29+$0x0], $0xffff;
	_ =	sdelay $0x1  }
0x74: {  	v5 =	vor.u32 s2, v1;
	_ =	sdelay $0x2  }
0x75: {  	s31 =	sadd.s32 $0x80, s31  }
0x76: {  	[tilespmem:s31+$0xFFFFFFC0] =	vst v4  }
0x77: {  	v4 =	vld.idx.msk [tilespmem:v5+s29+$0x0], $0xffff;
	_ =	sdelay $0x1  }
0x78: {  	v5 =	vor.u32 s2, v2;
	_ =	sdelay $0x3  }
0x79: {  	[tilespmem:s31+$0xFFFFFFD0] =	vst v4  }
0x7a: {  	v4 =	vld.idx.msk [tilespmem:v5+s29+$0x0], $0xffff;
	_ =	sdelay $0x1  }
0x7b: {  	v5 =	vor.u32 s2, v3;
	_ =	sdelay $0x3  }
0x7c: {  	[tilespmem:s31+$0xFFFFFFE0] =	vst v4  }
0x7d: {  	v4 =	vld.idx.msk [tilespmem:v5+s29+$0x0], $0xffff  }
0x7e: {  	s16 =	sadd.s32 $0x1, s2;
	s2 =	smov.u32 s1  }
0x7f: {  	v5 =	vor.u32 s16, v0;
	_ =	sdelay $0x3  }
0x80: {  	[tilespmem:s31+$0xFFFFFFF0] =	vst v4  }
0x81: {  	v4 =	vld.idx.msk [tilespmem:v5+s29+$0x0], $0xffff;
	_ =	sdelay $0x1  }
0x82: {  	v5 =	vor.u32 s16, v1;
	_ =	sdelay $0x3  }
0x83: {  	[tilespmem:s31+$0x0] =	vst v4  }
0x84: {  	v4 =	vld.idx.msk [tilespmem:v5+s29+$0x0], $0xffff;
	_ =	sdelay $0x1  }
0x85: {  	v5 =	vor.u32 s16, v2;
	_ =	sdelay $0x3  }
0x86: {  	[tilespmem:s31+$0x10] =	vst v4  }
0x87: {  	v4 =	vld.idx.msk [tilespmem:v5+s29+$0x0], $0xffff;
	_ =	sdelay $0x1  }
0x88: {  	v5 =	vor.u32 s16, v3;
	_ =	sdelay $0x2  }
.Ltmp5:
0x89: {  	(pc) =	sbr.rel @p2 .LBB2_4-.Ltmp5, $3  }
0x8a: {  	[tilespmem:s31+$0x20] =	vst v4  }
0x8b: {  	v4 =	vld.idx.msk [tilespmem:v5+s29+$0x0], $0xffff;
	_ =	sdelay $0x1  }
0x8c: {  	s1 =	sadd.s32 $0x2, s1;
	v5 =	vor.u32 s2, v0  }
0x8d: {  	_ =	sdelay $0x2  }
0x8e: {  	[tilespmem:s31+$0x30] =	vst v4  }
0x8f: {  	v4 =	vld.idx.msk [tilespmem:v5+s29+$0x0], $0xffff  }
0x90: {  	v5 =	vor.u32 s2, v1;
	_ =	sdelay $0x2  }
0x91: {  	s1 =	sadd.s32 $0x80, s31  }
0x92: {  	[tilespmem:s1+$0xFFFFFFC0] =	vst v4  }
0x93: {  	v4 =	vld.idx.msk [tilespmem:v5+s29+$0x0], $0xffff  }
0x94: {  	v5 =	vor.u32 s2, v2;
	_ =	sdelay $0x3  }
0x95: {  	[tilespmem:s1+$0xFFFFFFD0] =	vst v4  }
0x96: {  	v4 =	vld.idx.msk [tilespmem:v5+s29+$0x0], $0xffff  }
0x97: {  	v5 =	vor.u32 s2, v3;
	_ =	sdelay $0x3  }
0x98: {  	[tilespmem:s1+$0xFFFFFFE0] =	vst v4  }
0x99: {  	s16 =	sadd.s32 $0x1, s2;
	v4 =	vld.idx.msk [tilespmem:v5+s29+$0x0], $0xffff  }
0x9a: {  	v5 =	vor.u32 s16, v0;
	_ =	sdelay $0x3  }
0x9b: {  	[tilespmem:s1+$0xFFFFFFF0] =	vst v4  }
0x9c: {  	v4 =	vld.idx.msk [tilespmem:v5+s29+$0x0], $0xffff  }
0x9d: {  	v5 =	vor.u32 s16, v1;
	_ =	sdelay $0x3  }
0x9e: {  	[tilespmem:s1+$0x0] =	vst v4  }
0x9f: {  	v4 =	vld.idx.msk [tilespmem:v5+s29+$0x0], $0xffff  }
0xa0: {  	v5 =	vor.u32 s16, v2;
	_ =	sdelay $0x3  }
0xa1: {  	[tilespmem:s1+$0x10] =	vst v4  }
0xa2: {  	v4 =	vld.idx.msk [tilespmem:v5+s29+$0x0], $0xffff  }
0xa3: {  	v5 =	vor.u32 s16, v3;
	_ =	sdelay $0x3  }
0xa4: {  	[tilespmem:s1+$0x20] =	vst v4  }
0xa5: {  	v4 =	vld.idx.msk [tilespmem:v5+s29+$0x0], $0xffff;
	_ =	sdelay $0x1  }
.Ltmp6:
0xa6: {  	_ = 	snop;
	(pc) =	sbr.rel .LBB2_6-.Ltmp6, $4  }
0xa7: {  	_ = 	snop  }
0xa8: {  	s29 =	sshll.u32 s28, $0xA  }
0xa9: {  	s31 =	sadd.s32 s10, s29;
	[tilespmem:s1+$0x30] =	vst v4  }
0xaa: {  	[hbm4b:s31+s3] =	stream.linear.scatter [tilespmem:s30], [sflag:$0x2], $0x2000, $0x38;
	[tilespmem:$0xC000] =	vst v63  }
.LBB2_8:
0xab: {  	_ =	sfence.sel $0x180000  }
0xac: {  	[bflag:$0x0] =	sbarrier.arrive $0xFFFF  }
0xad: {  	_ =	strace $0x90000047  }
0xae: {  	s0 =	stileid.u32;
	[bflag:$0x2] =	sbarrier.arrive $0xFFFF  }
0xaf: {  	p0 =	sne.s32 s0, $0x0;
	s0 =	rddreg [dreg:$0x2]  }
0xb0: {  	s0 =	sadd.s32 @!p0 $0x100000, s0  }
0xb1: {  	[sflag:s0] =	ssyncadd.tile.s32 @!p0 $0x1;
	_ =	shalt  }
.Lfunc_end2:
_tile_overlayer_lowered:
.L_overlay_start_2:
0xb2: {  	(tag) =	ssettag $0x2  }
0xb3: {  	s0 =	rddreg [dreg:$0x0];
	s2 =	stileid.u32  }
0xb4: {  	s1 =	rddreg [dreg:$0x1];
	p0 =	sne.s32 s2, $0x0  }
0xb5: {  	s3 =	rddreg [dreg:$0x2];
	[bflag:$0x3] =	sbarrier.arrive $0xFFFF;
	s2 =	simm.s32 @!p0 $0x1C03  }
0xb6: {  	[timem:s3], [sflag:s2] =	dma.local @!p0 [hbm:s0], s1  }
0xb7: {  	s0 =	simm.s32 @!p0 $0x3  }
0xb8: {  	_ =	swait.ge @!p0 [sflag:s0], s1  }
0xb9: {  	s1 =	ssub.s32 @!p0 $0x0, s1;
	[sflag:s0] =	ssyncset.done @!p0 $0x0  }
0xba: {  	[sflag:s0] =	ssyncadd.s32 @!p0 s1  }
0xbb: {  	[bflag:$0x3] =	sbarrier.arrive $0xFFFF  }
0xbc: {  	_ =	shalt  }

// kernel: kernel.7.cloned.1.call-start
scs
__scs_entry_jumppad:
0x0: {  	(pc) =	sbr.rel $0x88, $3  }
0x1: {  	(tag) =	ssettag $0x0;
	lr =	simm.s32 $0x1  }
0x2: {  	[smem:$0x3F9E] =	sst lr;
	_ =	strace $0xD0000000  }
0x3: {  	_ = 	snop  }
0x4: {  	_ = 	snop  }
0x5: {  	_ = 	snop  }
0x6: {  	_ = 	snop  }
0x7: {  	_ = 	snop  }
__scs_overlays_trampoline_lowered:
0x8: {  	[smem:$0x3FAD] =	sst s0  }
0x9: {  	[smem:$0x3FAE] =	sst s1  }
0xa: {  	[smem:$0x3FAF] =	sst s2  }
0xb: {  	[smem:$0x3FB0] =	sst s3  }
0xc: {  	[smem:$0x3FB1] =	sst s4  }
0xd: {  	[smem:$0x3FB2] =	sst s5  }
0xe: {  	[smem:$0x3FB3] =	sst s6  }
0xf: {  	[smem:$0x3FB4] =	sst s7  }
0x10: {  	[smem:$0x3FB5] =	sst s8  }
0x11: {  	[smem:$0x3FB6] =	sst s9;
	s0 =	simm.s32 @!p0 $0x0  }
0x12: {  	s1 =	sld [smem:$0x3F9C];
	s0 =	simm.s32 @p0 $0x1  }
0x13: {  	[smem:$0x3FB7] =	sst s0;
	s0 =	simm.s32 @!p1 $0x0  }
0x14: {  	s2 =	sld [smem:$0x3F9B];
	s0 =	simm.s32 @p1 $0x1  }
0x15: {  	[smem:$0x3FB8] =	sst s0;
	s0 =	simm.s32 @!p2 $0x0  }
0x16: {  	s3 =	sld [smem:$0x3FDB];
	s0 =	simm.s32 @p2 $0x1  }
0x17: {  	s4 =	simm.s32 $0x1BF5;
	[smem:$0x3FBA] =	sst s0  }
0x18: {  	s0 =	sld [smem:$0x3F9D];
	_ =	swait.ge [sflag:s4], $0x0  }
0x19: {  	s7 =	sld [smem:$0x3F9E]  }
0x1a: {  	s8 =	sadd.s32 $0xFFFFE003, lr  }
0x1b: {  	s9 =	sadd.s32 $0xFFFFFEF7, lr;
	s5 =	simm.s32 $0xFFFFFFFF;
	p2 =	slt.u32 s8, $0xFFFFF086  }
0x1c: {  	p1 =	slt.u32 s9, $0xF7A;
	s5 =	simm.s32 @!p2 $0x0  }
0x1d: {  	s5 =	simm.s32 @p1 $0x1;
	p0 =	seq.s32 s7, s2  }
0x1e: {  	s7 =	smul.u32 @!p0 $0xF7A, s2;
	p2 =	seq.s32 @!p0 s5, $0x0  }
0x1f: {  	s9 =	smul.u32 $0xF7A, s1;
	s8 =	simm.s32 @!p0 $0x1BF5;
	p2 =	por !p2, p0  }
0x20: {  	[sflag:s8] =	ssyncset.s32 @!p0 $0xFFFFF086;
	s6 =	sadd.s32 @!p0 s3, s7;
	s7 =	simm.s32 @!p0 $0x108  }
0x21: {  	s3 =	sadd.s32 s3, s9;
	s6 =	sadd.s32 @!p0 $0x88, s6;
	s7 =	simm.s32 @p2 $0x1082  }
0x22: {  	[simem:s7], [sflag:s8] =	dma.local @!p0 [hbm:s6], $0xF7A  }
0x23: {  	s9 =	sor.u32 $0xD0000000, s2;
	s6 =	simm.s32 $0x108;
	_ =	swait.ge @!p0 [sflag:s8], $0x0  }
0x24: {  	s3 =	sadd.s32 $0x88, s3;
	s6 =	simm.s32 @!p1 $0x1082;
	[sflag:s4] =	ssyncset.s32 $0xFFFFF086  }
0x25: {  	[simem:s6], [sflag:s4] =	dma.local [hbm:s3], $0xF7A  }
0x26: {  	[smem:$0x3F9E] =	sst s1;
	(tag) =	ssettag s2;
	_ =	strace s9  }
0x27: {  	s1 =	sld [smem:$0x3FAE]  }
0x28: {  	s2 =	sld [smem:$0x3FAF]  }
0x29: {  	s4 =	sld [smem:$0x3FB1]  }
0x2a: {  	p0 =	seq.s32 s5, $0x0;
	s5 =	sld [smem:$0x3FB2]  }
0x2b: {  	s6 =	sld [smem:$0x3FB3]  }
0x2c: {  	s7 =	sld [smem:$0x3FB4]  }
0x2d: {  	s3 =	simm.s32 $0x108;
	s8 =	sld [smem:$0x3FB5]  }
0x2e: {  	s3 =	simm.s32 @!p0 $0x1082;
	s9 =	sld [smem:$0x3FB6]  }
0x2f: {  	lr =	sadd.s32 s0, s3;
	s0 =	sld [smem:$0x3FAD]  }
0x30: {  	s3 =	sld [smem:$0x3FB0]  }
0x31: {  	[smem:$0x3FB9] =	sst s10  }
0x32: {  	s10 =	sld [smem:$0x3FB7];
	_ =	sdelay $0x3  }
0x33: {  	p0 =	seq.s32 s10, $0x1;
	s10 =	sld [smem:$0x3FB9];
	_ =	sdelay $0x3  }
0x34: {  	[smem:$0x3FB9] =	sst s10  }
0x35: {  	s10 =	sld [smem:$0x3FB8];
	_ =	sdelay $0x3  }
0x36: {  	p1 =	seq.s32 s10, $0x1;
	s10 =	sld [smem:$0x3FB9];
	_ =	sdelay $0x3  }
0x37: {  	[smem:$0x3FB9] =	sst s10  }
0x38: {  	s10 =	sld [smem:$0x3FBA]  }
0x39: {  	_ = 	snop;
	(pc) =	sbr.ind lr, $3  }
0x3a: {  	_ = 	snop  }
0x3b: {  	_ = 	snop  }
0x3c: {  	p2 =	seq.s32 s10, $0x1;
	s10 =	sld [smem:$0x3FB9]  }
0x3d: {  	_ =	shalt  }
0x3e: {  	_ =	shalt  }
0x3f: {  	_ =	shalt  }
0x40: {  	_ =	shalt  }
0x41: {  	_ =	shalt  }
0x42: {  	_ =	shalt  }
0x43: {  	_ =	shalt  }
0x44: {  	_ =	shalt  }
0x45: {  	_ =	shalt  }
0x46: {  	_ =	shalt  }
0x47: {  	_ =	shalt  }
0x48: {  	_ =	shalt  }
0x49: {  	_ =	shalt  }
0x4a: {  	_ =	shalt  }
0x4b: {  	_ =	shalt  }
0x4c: {  	_ =	shalt  }
0x4d: {  	_ =	shalt  }
0x4e: {  	_ =	shalt  }
0x4f: {  	_ =	shalt  }
0x50: {  	_ =	shalt  }
0x51: {  	_ =	shalt  }
0x52: {  	_ =	shalt  }
0x53: {  	_ =	shalt  }
0x54: {  	_ =	shalt  }
0x55: {  	_ =	shalt  }
0x56: {  	_ =	shalt  }
0x57: {  	_ =	shalt  }
0x58: {  	_ =	shalt  }
0x59: {  	_ =	shalt  }
0x5a: {  	_ =	shalt  }
0x5b: {  	_ =	shalt  }
0x5c: {  	_ =	shalt  }
0x5d: {  	_ =	shalt  }
0x5e: {  	_ =	shalt  }
0x5f: {  	_ =	shalt  }
0x60: {  	_ =	shalt  }
0x61: {  	_ =	shalt  }
0x62: {  	_ =	shalt  }
0x63: {  	_ =	shalt  }
0x64: {  	_ =	shalt  }
0x65: {  	_ =	shalt  }
0x66: {  	_ =	shalt  }
0x67: {  	_ =	shalt  }
0x68: {  	_ =	shalt  }
0x69: {  	_ =	shalt  }
0x6a: {  	_ =	shalt  }
0x6b: {  	_ =	shalt  }
0x6c: {  	_ =	shalt  }
0x6d: {  	_ =	shalt  }
0x6e: {  	_ =	shalt  }
0x6f: {  	_ =	shalt  }
0x70: {  	_ =	shalt  }
0x71: {  	_ =	shalt  }
0x72: {  	_ =	shalt  }
0x73: {  	_ =	shalt  }
0x74: {  	_ =	shalt  }
0x75: {  	_ =	shalt  }
0x76: {  	_ =	shalt  }
0x77: {  	_ =	shalt  }
0x78: {  	_ =	shalt  }
0x79: {  	_ =	shalt  }
0x7a: {  	_ =	shalt  }
0x7b: {  	_ =	shalt  }
0x7c: {  	_ =	shalt  }
0x7d: {  	_ =	shalt  }
0x7e: {  	_ =	shalt  }
0x7f: {  	_ =	shalt  }
0x80: {  	_ =	shalt  }
0x81: {  	_ =	shalt  }
0x82: {  	_ =	shalt  }
0x83: {  	_ =	shalt  }
0x84: {  	_ =	shalt  }
0x85: {  	_ =	shalt  }
0x86: {  	_ =	shalt  }
0x87: {  	_ =	shalt  }
.Lfunc_end0:
.L_simem_size_0:
called_computation.1_lowered:
.L_overlay_start_0:
0x88: {  	s2 =	sld [smem:$0x3FD9]  }
0x89: {  	s3 =	sld [smem:$0x3FFE];
	_ =	sdelay $0x1  }
0x8a: {  	s1 =	srdreg.scid  }
0x8b: {  	s0 =	sand.u32 $0x1, s1  }
0x8c: {  	s17 =	sshll.u32 s0, $0xA;
	s2 =	sadd.s32 s3, s2  }
0x8d: {  	s2 =	sadd.s32 s2, s17  }
0x8e: {  	[smem:$0x3FC5] =	sst s2  }
0x8f: {  	_ = 	snop  }
0x90: {  	s2 =	sld [smem:$0x3FD0];
	(tm) =	ssettm $0x1  }
0x91: {  	s18 =	sld [smem:$0x3FFB];
	_ =	sdelay $0x3  }
0x92: {  	_ =	strace s18  }
0x93: {  	s3 =	sld [smem:$0x3FFC];
	_ =	sdelay $0x3  }
0x94: {  	_ =	strace s3  }
0x95: {  	s3 =	sld [smem:$0x3FFD];
	_ =	sdelay $0x3  }
0x96: {  	_ =	strace s3  }
0x97: {  	_ =	strace $0x8FFFFFFF  }
0x98: {  	s19 =	sld [smem:$0x3FDB];
	_ =	sdelay $0x1  }
0x99: {  	s4 =	simm.s32 $_scs_section_size  }
0x9a: {  	s5 =	simm.s32 $_size__tile_overlayer_lowered;
	s6 =	simm.s32 $_tile_overlayer_lowered  }
0x9b: {  	s22 =	simm.s32 $0x1BFF;
	s21 =	sshll.u32 s6, $0x1;
	s3 =	sadd.s32 s4, s19  }
0x9c: {  	s7 =	simm.s32 $0x0;
	s20 =	sshll.u32 s5, $0x1;
	s5 =	sadd.s32 s21, s3  }
0x9d: {  	[timem:s7], [sflag:s22] =	dma.local [hbm:s5], s20  }
0x9e: {  	_ =	swait.ge [sflag:s22], s20  }
0x9f: {  	s4 =	ssub.s32 $0x0, s20;
	[sflag:s22] =	ssyncset.done $0x0  }
0xa0: {  	[sflag:s22] =	ssyncadd.s32 s4;
	_ =	sdelay $0x1  }
0xa1: {  	s23 =	simm.s32 $0x1B8B  }
0xa2: {  	_ =	swait.ge [sflag:s23], $0x1  }
0xa3: {  	[sflag:s23] =	ssyncset.done $0x0  }
0xa4: {  	s25 =	simm.s32 $0x1B8E;
	s24 =	sld [smem:$0x3FFE];
	[sflag:s23] =	ssyncadd.s32 $0xFFFFFFFF  }
0xa5: {  	s26 =	simm.s32 $execute0_lowered;
	[smem:$0x3FD2] =	sst s25  }
0xa6: {  	s5 =	sshll.u32 s26, $0x1;
	_ =	strace $0x80000049;
	[dreg:$0x1] =	wrdreg $0xFFFFFFFF  }
0xa7: {  	s28 =	simm.s32 $_size_execute0_lowered;
	s3 =	sadd.s32 s3, s5;
	[dreg:$0x0] =	wrdreg $0x0  }
0xa8: {  	s5 =	sshll.u32 s28, $0x1;
	[dreg:$0x2] =	wrdreg s3  }
0xa9: {  	[dreg:$0x3] =	wrdreg s5  }
0xaa: {  	[dreg:$0x4] =	wrdreg $0xC0  }
0xab: {  	_ =	task [dreg:s7], $0x5FFFF  }
0xac: {  	[dreg:$0x1] =	wrdreg $0xFFFFFFFF  }
0xad: {  	[dreg:$0x0] =	wrdreg $0x60  }
0xae: {  	[dreg:$0x2] =	wrdreg s24  }
0xaf: {  	[dreg:$0x3] =	wrdreg s2  }
0xb0: {  	[dreg:$0x4] =	wrdreg $0x9  }
0xb1: {  	_ =	task.clear_ibuf [dreg:s7], $0x5FFFF;
	_ =	strace $0x90000049  }
0xb2: {  	s29 =	simm.s32 $0x9;
	_ =	strace $0x8000004B  }
0xb3: {  	_ =	swait.ge [sflag:s29], $0x1  }
0xb4: {  	[sflag:s29] =	ssyncadd.s32 $0xFFFFFFFF  }
0xb5: {  	_ =	strace $0x9000004B  }
0xb6: {  	_ =	sfence  }
0xb7: {  	s30 =	sld [smem:$0x0];
	_ =	sdelay $0x2  }
0xb8: {  	s31 =	sshll.u32 s1, $0xD;
	s1 =	sshrl.u32 s1, $0x2  }
0xb9: {  	s3 =	sand.u32 $0x4000, s31;
	s1 =	sadd.s32 s1, s30  }
0xba: {  	s0 =	sor.u32 s3, s0;
	s1 =	sshll.u32 s1, $0x11  }
0xbb: {  	s0 =	sor.u32 s1, s0  }
0xbc: {  	s0 =	sadd.s32 $0x8F2B, s0  }
0xbd: {  	[sflag:s0] =	ssyncadd.remote.s32 $0x1  }
0xbe: {  	_ =	sfence.sel $0xFFFF  }
0xbf: {  	[dreg:$0x0] =	wrdreg $0xFFFFFFFF;
	(pc) =	sbr.abs _section_cstart, $3  }
0xc0: {  	[dreg:$0x1] =	wrdreg $0xFFFFFFFF  }
0xc1: {  	_ =	task.clear_ibuf [dreg:s7], $0x2FFFF;
	_ =	strace $0x9FFFFFFF  }
0xc2: {  	(tm) =	ssettm $0x7FFFFFFF  }
0xc3: {  	_ =	shalt  }
tec
execute0_lowered:
.L_overlay_start_1:
0x0: {  	(tag) =	ssettag $0x1  }
0x1: {  	s1 =	srdreg.scid;
	s5 =	rddreg [dreg:$0x0]  }
0x2: {  	s0 =	stileid.u32;
	s2 =	rddreg [dreg:$0x1];
	s3 =	simm.s32 $0x0  }
0x3: {  	s16 =	simm.s32 $0xCC00;
	s17 =	simm.s32 $0x3;
	s18 =	simm.s32 $0x80  }
0x4: {  	s19 =	simm.s32 $0x6800;
	s20 =	simm.s32 $0xFE00;
	s21 =	simm.s32 $0x1  }
0x5: {  	s22 =	simm.s32 $0x2;
	s23 =	simm.s32 $0x0;
	s4 =	sand.u32 $0x1, s1  }
0x6: {  	v5 =	vlaneseq.u32;
	s31 =	sshll.u32 s0, $0x1;
	[smem:$0x7FF] =	sst s3;
	s10 =	sadd.s32 $0x3000, s2  }
0x7: {  	v0 =	vmul.u32 $0xD0, v5;
	s11 =	sadd.s32 $0x4000, s2;
	s12 =	sadd.s32 $0x5000, s2;
	s13 =	sadd.s32 $0x6000, s2  }
0x8: {  	s14 =	sadd.s32 $0x7000, s2;
	s7 =	sor.u32 s4, s31;
	s8 =	ssub.s32 $0x2, s4  }
0x9: {  	v5 =	vmul.u32 $0x88, v5;
	_ =	strace $0x8000004A;
	s6 =	smul.u32 $0xC80, s7;
	s9 =	sshrl.u32 s8, $0x1;
	v1 =	vadd.s32 $0xD00, v0;
	v2 =	vadd.s32 $0x1A00, v0  }
0xa: {  	s4 =	sadd.s32 $0xC00, s5;
	s7 =	sshll.u32 s7, $0x7;
	v3 =	vadd.s32 $0x2700, v0;
	v4 =	vadd.s32 $0x3400, v0;
	v6 =	vadd.s32 $0x4100, v0;
	s15 =	ssub.s32 s8, s9  }
0xb: {  	v7 =	vadd.s32 $0x4E00, v0;
	v8 =	vadd.s32 $0x5B00, v0;
	v9 =	vadd.s32 $0x880, v5;
	s8 =	sadd.s32 $0x1000, s2;
	s9 =	sadd.s32 $0x2000, s2;
	s6 =	sadd.s32 s6, s5  }
0xc: {  	v10 =	vadd.s32 $0x1100, v5;
	v11 =	vadd.s32 $0x1980, v5;
	s5 =	sadd.s32 $0x7BAE00, s5;
	s15 =	smax.u32 s15, $0x1;
	s6 =	sadd.s32 $0x7A1E00, s6  }
.LBB2_1:
0xd: {  	[tilespmem:s16], [sflag:$0x3] =	stream.linear.gather [hbm4b:s5+s3], $0x3200, $0x38;
	[tilespmem:$0x18200] =	vst v63  }
0xe: {  	_ =	swait.ge [sflag:s17], $0x3200  }
0xf: {  	s25 =	simm.s32 $0x19;
	s28 =	sadd.s32 $0x0, s6;
	[sflag:s17] =	ssyncset.done $0x0  }
0x10: {  	s26 =	simm.s32 $0xD0;
	s24 =	simm.s32 $0x0;
	[sflag:s17] =	ssyncadd.s32 $0xFFFFCE00  }
.LBB2_2:
0x11: {  	[tilespmem:s24], [sflag:$0x3] =	stream.linear.gather [hbm4b:s28+s3], $0xC8, $0x38;
	[tilespmem:$0x18200] =	vst v63  }
0x12: {  	s28 =	smov.u32 s25;
	s24 =	smov.u32 s26;
	p0 =	sne.s32 s25, $0xC67  }
.Ltmp0:
0x13: {  	s25 =	sadd.s32 $0x19, s25;
	(pc) =	sbr.rel @p0 .LBB2_2-.Ltmp0, $2  }
0x14: {  	_ =	sdelay $0x2  }
0x15: {  	s26 =	sadd.s32 $0xD0, s26;
	s28 =	sadd.s32 s28, s6  }
0x16: {  	s25 =	simm.s32 $0x0  }
0x17: {  	v12 =	vmov s25  }
0x18: {  	v12 =	vand.u32 $0xFF, v12  }
0x19: {  	v13 =	vadd.s32 v0, v12  }
0x1a: {  	[tilespmem:s24], [sflag:$0x3] =	stream.linear.gather [hbm4b:s28+s3], $0xC8, $0x38;
	[tilespmem:$0x18200] =	vst v63  }
0x1b: {  	_ =	swait.ge [sflag:s17], $0x6400  }
0x1c: {  	[sflag:s17] =	ssyncset.done $0x0  }
0x1d: {  	[sflag:s17] =	ssyncadd.s32 $0xFFFF9C00  }
0x1e: {  	v13 =	vld.idx.msk [tilespmem:v13+s3+$0x0], $0xffff  }
0x1f: {  	v14 =	vadd.s32 v1, v12;
	_ =	sdelay $0x2  }
0x20: {  	s24 =	simm.s32 $0x6840  }
0x21: {  	[tilespmem:s24+$0xFFFFFFC0] =	vst v13  }
0x22: {  	v13 =	vld.idx.msk [tilespmem:v14+s3+$0x0], $0xffff  }
0x23: {  	v14 =	vadd.s32 v2, v12;
	_ =	sdelay $0x3  }
0x24: {  	[tilespmem:s24+$0xFFFFFFD0] =	vst v13  }
0x25: {  	v13 =	vld.idx.msk [tilespmem:v14+s3+$0x0], $0xffff  }
0x26: {  	v14 =	vadd.s32 v3, v12;
	_ =	sdelay $0x3  }
0x27: {  	[tilespmem:s24+$0xFFFFFFE0] =	vst v13  }
0x28: {  	v13 =	vld.idx.msk [tilespmem:v14+s3+$0x0], $0xffff  }
0x29: {  	v14 =	vadd.s32 v4, v12;
	_ =	sdelay $0x3  }
0x2a: {  	[tilespmem:s24+$0xFFFFFFF0] =	vst v13  }
0x2b: {  	v13 =	vld.idx.msk [tilespmem:v14+s3+$0x0], $0xffff  }
0x2c: {  	v14 =	vadd.s32 v6, v12;
	_ =	sdelay $0x3  }
0x2d: {  	[tilespmem:s24+$0x0] =	vst v13  }
0x2e: {  	v13 =	vld.idx.msk [tilespmem:v14+s3+$0x0], $0xffff  }
0x2f: {  	v14 =	vadd.s32 v7, v12;
	_ =	sdelay $0x3  }
0x30: {  	[tilespmem:s24+$0x10] =	vst v13  }
0x31: {  	v13 =	vld.idx.msk [tilespmem:v14+s3+$0x0], $0xffff  }
0x32: {  	v12 =	vadd.s32 v8, v12;
	_ =	sdelay $0x3  }
0x33: {  	s31 =	simm.s32 $0x1;
	[tilespmem:s24+$0x20] =	vst v13  }
0x34: {  	s25 =	simm.s32 $0x2;
	v13 =	vmov s31;
	v12 =	vld.idx.msk [tilespmem:v12+s3+$0x0], $0xffff  }
.LBB2_4:
0x35: {  	p0 =	sne.s32 s25, $0xC7;
	v13 =	vand.u32 $0xFF, v13  }
0x36: {  	v14 =	vadd.s32 v0, v13;
	_ =	sdelay $0x3  }
0x37: {  	[tilespmem:s24+$0x30] =	vst v12  }
0x38: {  	v12 =	vld.idx.msk [tilespmem:v14+s3+$0x0], $0xffff;
	_ =	sdelay $0x1  }
0x39: {  	v14 =	vadd.s32 v1, v13;
	_ =	sdelay $0x2  }
0x3a: {  	s24 =	sadd.s32 $0x80, s24  }
0x3b: {  	[tilespmem:s24+$0xFFFFFFC0] =	vst v12  }
0x3c: {  	v12 =	vld.idx.msk [tilespmem:v14+s3+$0x0], $0xffff;
	_ =	sdelay $0x1  }
0x3d: {  	v14 =	vadd.s32 v2, v13;
	_ =	sdelay $0x3  }
0x3e: {  	[tilespmem:s24+$0xFFFFFFD0] =	vst v12  }
0x3f: {  	v12 =	vld.idx.msk [tilespmem:v14+s3+$0x0], $0xffff;
	_ =	sdelay $0x1  }
0x40: {  	v14 =	vadd.s32 v3, v13;
	_ =	sdelay $0x3  }
0x41: {  	[tilespmem:s24+$0xFFFFFFE0] =	vst v12  }
0x42: {  	v12 =	vld.idx.msk [tilespmem:v14+s3+$0x0], $0xffff;
	_ =	sdelay $0x1  }
0x43: {  	v14 =	vadd.s32 v4, v13;
	_ =	sdelay $0x3  }
0x44: {  	[tilespmem:s24+$0xFFFFFFF0] =	vst v12  }
0x45: {  	v12 =	vld.idx.msk [tilespmem:v14+s3+$0x0], $0xffff;
	_ =	sdelay $0x1  }
0x46: {  	v14 =	vadd.s32 v6, v13;
	_ =	sdelay $0x3  }
0x47: {  	[tilespmem:s24+$0x0] =	vst v12  }
0x48: {  	v12 =	vld.idx.msk [tilespmem:v14+s3+$0x0], $0xffff;
	_ =	sdelay $0x1  }
0x49: {  	v14 =	vadd.s32 v7, v13;
	_ =	sdelay $0x3  }
0x4a: {  	[tilespmem:s24+$0x10] =	vst v12  }
0x4b: {  	v12 =	vld.idx.msk [tilespmem:v14+s3+$0x0], $0xffff;
	_ =	sdelay $0x1  }
0x4c: {  	v14 =	vadd.s32 v8, v13  }
.Ltmp1:
0x4d: {  	(pc) =	sbr.rel @p0 .LBB2_4-.Ltmp1, $3  }
0x4e: {  	_ =	sdelay $0x1  }
0x4f: {  	[tilespmem:s24+$0x20] =	vst v12  }
0x50: {  	v13 =	vmov s25;
	s25 =	sadd.s32 $0x1, s25;
	v12 =	vld.idx.msk [tilespmem:v14+s3+$0x0], $0xffff  }
0x51: {  	v13 =	vand.u32 $0xFF, v13  }
0x52: {  	v14 =	vadd.s32 v0, v13;
	_ =	sdelay $0x3  }
0x53: {  	[tilespmem:s24+$0x30] =	vst v12  }
0x54: {  	v12 =	vld.idx.msk [tilespmem:v14+s3+$0x0], $0xffff  }
0x55: {  	v58 =	vadd.s32 v1, v13;
	_ =	sdelay $0x2  }
0x56: {  	s31 =	sadd.s32 $0x80, s24  }
0x57: {  	[tilespmem:s31+$0xFFFFFFC0] =	vst v12  }
0x58: {  	v12 =	vld.idx.msk [tilespmem:v58+s3+$0x0], $0xffff  }
0x59: {  	v59 =	vadd.s32 v2, v13;
	_ =	sdelay $0x3  }
0x5a: {  	[tilespmem:s31+$0xFFFFFFD0] =	vst v12  }
0x5b: {  	v12 =	vld.idx.msk [tilespmem:v59+s3+$0x0], $0xffff  }
0x5c: {  	v60 =	vadd.s32 v3, v13;
	_ =	sdelay $0x3  }
0x5d: {  	[tilespmem:s31+$0xFFFFFFE0] =	vst v12  }
0x5e: {  	v12 =	vld.idx.msk [tilespmem:v60+s3+$0x0], $0xffff  }
0x5f: {  	v61 =	vadd.s32 v4, v13;
	_ =	sdelay $0x3  }
0x60: {  	[tilespmem:s31+$0xFFFFFFF0] =	vst v12  }
0x61: {  	v12 =	vld.idx.msk [tilespmem:v61+s3+$0x0], $0xffff  }
0x62: {  	v62 =	vadd.s32 v6, v13;
	_ =	sdelay $0x3  }
0x63: {  	[tilespmem:s31+$0x0] =	vst v12  }
0x64: {  	v12 =	vld.idx.msk [tilespmem:v62+s3+$0x0], $0xffff  }
0x65: {  	v63 =	vadd.s32 v7, v13;
	_ =	sdelay $0x3  }
0x66: {  	[tilespmem:s31+$0x10] =	vst v12  }
0x67: {  	v12 =	vld.idx.msk [tilespmem:v63+s3+$0x0], $0xffff  }
0x68: {  	v13 =	vadd.s32 v8, v13;
	_ =	sdelay $0x3  }
0x69: {  	[tilespmem:s31+$0x20] =	vst v12  }
0x6a: {  	v12 =	vld.idx.msk [tilespmem:v13+s3+$0x0], $0xffff;
	_ =	sdelay $0x4  }
0x6b: {  	p0 =	por $0x0, $0x0;
	s28 =	simm.s32 $0x0;
	s24 =	simm.s32 $0x0;
	[tilespmem:s31+$0x30] =	vst v12  }
0x6c: {  	[tilespmem:s20], [sflag:$0x1] =	stream.indirect.gather [hbm4b:s4+s18], $0x40, s19, s18, $0xb8;
	[tilespmem:$0x18200] =	vst v63  }
.LBB2_6:
0x6d: {  	s25 =	sadd.s32 $0x1, s28;
	p1 =	seq.s32 s28, $0xC7  }
0x6e: {  	s26 =	sand.u32 $0x1, s28;
	s29 =	sshll.u32 @!p1 s25, $0x7  }
0x6f: {  	s30 =	sshll.u32 @!p1 s26, $0xD;
	s29 =	sand.u32 @!p1 $0x3FFFFF80, s29  }
0x70: {  	s31 =	simm.s32 @!p1 $0x80;
	s30 =	ssub.s32 @!p1 $0x11E00, s30;
	s29 =	sadd.s32 @!p1 $0x6800, s29  }
0x71: {  	[tilespmem:s30], [sflag:$0x1] =	stream.indirect.gather @!p1 [hbm4b:s4+s31], $0x40, s29, s31, $0xb8;
	[tilespmem:$0x18200] =	vst v63  }
0x72: {  	_ =	swait.ge [sflag:s21], $0x2000  }
0x73: {  	p1 =	slt.u32 s28, $0x2;
	[sflag:s21] =	ssyncset.done $0x0  }
0x74: {  	s29 =	simm.s32 @!p1 $0x2;
	[sflag:s21] =	ssyncadd.s32 $0xFFFFE000  }
0x75: {  	_ =	swait.ge @!p1 [sflag:s29], $0x400  }
0x76: {  	[sflag:s29] =	ssyncset.done @!p1 $0x0  }
0x77: {  	[sflag:s29] =	ssyncadd.s32 @!p1 $0xFFFFFC00  }
0x78: {  	_ =	swait.ge @!p1 [sflag:s29], $0x400  }
0x79: {  	[sflag:s29] =	ssyncset.done @!p1 $0x0  }
0x7a: {  	[sflag:s29] =	ssyncadd.s32 @!p1 $0xFFFFFC00  }
0x7b: {  	_ =	swait.ge @!p1 [sflag:s29], $0x400  }
0x7c: {  	[sflag:s29] =	ssyncset.done @!p1 $0x0  }
0x7d: {  	[sflag:s29] =	ssyncadd.s32 @!p1 $0xFFFFFC00  }
0x7e: {  	_ =	swait.ge @!p1 [sflag:s29], $0x400  }
0x7f: {  	[sflag:s29] =	ssyncset.done @!p1 $0x0  }
0x80: {  	[sflag:s29] =	ssyncadd.s32 @!p1 $0xFFFFFC00  }
0x81: {  	_ =	swait.ge @!p1 [sflag:s29], $0x400  }
0x82: {  	[sflag:s29] =	ssyncset.done @!p1 $0x0  }
0x83: {  	[sflag:s29] =	ssyncadd.s32 @!p1 $0xFFFFFC00  }
0x84: {  	_ =	swait.ge @!p1 [sflag:s29], $0x400  }
0x85: {  	[sflag:s29] =	ssyncset.done @!p1 $0x0  }
0x86: {  	[sflag:s29] =	ssyncadd.s32 @!p1 $0xFFFFFC00  }
0x87: {  	_ =	swait.ge @!p1 [sflag:s29], $0x400  }
0x88: {  	[sflag:s29] =	ssyncset.done @!p1 $0x0  }
0x89: {  	[sflag:s29] =	ssyncadd.s32 @!p1 $0xFFFFFC00  }
0x8a: {  	s30 =	simm.s32 $0x1;
	_ =	swait.ge @!p1 [sflag:s29], $0x400  }
0x8b: {  	s31 =	sshll.u32 s28, $0x6;
	s30 =	simm.s32 @!p0 $0x0;
	[sflag:s29] =	ssyncset.done @!p1 $0x0  }
0x8c: {  	s31 =	sand.u32 $0x3FFFFFC0, s31;
	s30 =	sshll.u32 s30, $0xD;
	[sflag:s29] =	ssyncadd.s32 @!p1 $0xFFFFFC00  }
0x8d: {  	s29 =	sadd.s32 $0xFE20, s30;
	v12 =	vld [tilespmem:s31+$0xCC00]  }
0x8e: {  	v13 =	vmov s24;
	v15 =	vld [tilespmem:s29+$0xFFFFFFE0]  }
0x8f: {  	v16 =	vand.u32 $0x7F, v13  }
0x90: {  	v17 =	vadd.s32 v5, v16  }
0x91: {  	s26 =	smul.u32 $0x8800, s26;
	_ =	sdelay $0x1  }
0x92: {  	s26 =	sshrl.u32 s26, $0x2;
	v13 =	vld [tilespmem:s31+$0xCC10];
	v18 =	vadd.f32 v15, v12  }
0x93: {  	s30 =	sadd.s32 $0x13E00, s26;
	v14 =	vld [tilespmem:s31+$0xCC20]  }
0x94: {  	v15 =	vld [tilespmem:s31+$0xCC30];
	[tilespmem:v17+s30+$0x0] =	vst.idx.msk $0xffff, v18  }
0x95: {  	v17 =	vld [tilespmem:s29+$0xFFFFFFF0];
	_ =	sdelay $0x1  }
0x96: {  	v18 =	vadd.s32 v9, v16;
	_ =	sdelay $0x2  }
0x97: {  	v17 =	vadd.f32 v17, v13;
	_ =	sdelay $0x1  }
0x98: {  	[tilespmem:v18+s30+$0x0] =	vst.idx.msk $0xffff, v17  }
0x99: {  	v17 =	vld [tilespmem:s29+$0x0];
	_ =	sdelay $0x1  }
0x9a: {  	v18 =	vadd.s32 v10, v16;
	_ =	sdelay $0x2  }
0x9b: {  	v17 =	vadd.f32 v17, v14;
	_ =	sdelay $0x1  }
0x9c: {  	[tilespmem:v18+s30+$0x0] =	vst.idx.msk $0xffff, v17  }
0x9d: {  	v17 =	vld [tilespmem:s29+$0x10];
	_ =	sdelay $0x1  }
0x9e: {  	v16 =	vadd.s32 v11, v16;
	_ =	sdelay $0x2  }
0x9f: {  	s31 =	simm.s32 $0x1;
	v17 =	vadd.f32 v17, v15  }
.LBB2_7:
0xa0: {  	p1 =	sne.s32 s31, $0x7F  }
0xa1: {  	s29 =	sadd.s32 $0x40, s29;
	s1 =	smov.u32 s31;
	s31 =	sadd.s32 $0x1, s31;
	[tilespmem:v16+s30+$0x0] =	vst.idx.msk $0xffff, v17  }
0xa2: {  	v16 =	vmov s1;
	v17 =	vld [tilespmem:s29+$0xFFFFFFE0]  }
0xa3: {  	v16 =	vand.u32 $0x7F, v16  }
0xa4: {  	v18 =	vadd.s32 v5, v16;
	_ =	sdelay $0x2  }
0xa5: {  	v17 =	vadd.f32 v17, v12;
	_ =	sdelay $0x1  }
0xa6: {  	[tilespmem:v18+s30+$0x0] =	vst.idx.msk $0xffff, v17  }
0xa7: {  	v17 =	vld [tilespmem:s29+$0xFFFFFFF0];
	_ =	sdelay $0x1  }
0xa8: {  	v18 =	vadd.s32 v9, v16;
	_ =	sdelay $0x2  }
0xa9: {  	v17 =	vadd.f32 v17, v13;
	_ =	sdelay $0x1  }
0xaa: {  	[tilespmem:v18+s30+$0x0] =	vst.idx.msk $0xffff, v17  }
0xab: {  	v17 =	vld [tilespmem:s29+$0x0];
	_ =	sdelay $0x1  }
0xac: {  	v18 =	vadd.s32 v10, v16;
	_ =	sdelay $0x2  }
0xad: {  	v17 =	vadd.f32 v17, v14;
	_ =	sdelay $0x1  }
0xae: {  	[tilespmem:v18+s30+$0x0] =	vst.idx.msk $0xffff, v17  }
0xaf: {  	v17 =	vld [tilespmem:s29+$0x10]  }
.Ltmp2:
0xb0: {  	(pc) =	sbr.rel @p1 .LBB2_7-.Ltmp2, $2  }
0xb1: {  	v16 =	vadd.s32 v11, v16;
	_ =	sdelay $0x2  }
0xb2: {  	v17 =	vadd.f32 v17, v15  }
0xb3: {  	_ =	sdelay $0x1  }
0xb4: {  	s1 =	sshll.u32 s28, $0xF  }
0xb5: {  	s28 =	sor.u32 s7, s1  }
0xb6: {  	[tilespmem:v16+s30+$0x0] =	vst.idx.msk $0xffff, v17;
	s1 =	sadd.s32 s2, s28  }
0xb7: {  	[hbm4b:s1+s3] =	stream.linear.scatter [tilespmem:s30], [sflag:$0x2], $0x80, $0x38;
	[tilespmem:$0x18200] =	vst v63  }
0xb8: {  	s29 =	sadd.s32 $0x13E88, s26;
	s31 =	sadd.s32 $0x10, s1  }
0xb9: {  	[hbm4b:s31+s3] =	stream.linear.scatter [tilespmem:s29], [sflag:$0x2], $0x80, $0x38;
	[tilespmem:$0x18200] =	vst v63  }
0xba: {  	s29 =	sadd.s32 $0x13F10, s26;
	s31 =	sadd.s32 $0x20, s1  }
0xbb: {  	[hbm4b:s31+s3] =	stream.linear.scatter [tilespmem:s29], [sflag:$0x2], $0x80, $0x38;
	[tilespmem:$0x18200] =	vst v63  }
0xbc: {  	s29 =	sadd.s32 $0x13F98, s26;
	s31 =	sadd.s32 $0x30, s1  }
0xbd: {  	[hbm4b:s31+s3] =	stream.linear.scatter [tilespmem:s29], [sflag:$0x2], $0x80, $0x38;
	[tilespmem:$0x18200] =	vst v63  }
0xbe: {  	s29 =	sadd.s32 $0x14020, s26;
	s31 =	sadd.s32 $0x40, s1  }
0xbf: {  	[hbm4b:s31+s3] =	stream.linear.scatter [tilespmem:s29], [sflag:$0x2], $0x80, $0x38;
	[tilespmem:$0x18200] =	vst v63  }
0xc0: {  	s29 =	sadd.s32 $0x140A8, s26;
	s31 =	sadd.s32 $0x50, s1  }
0xc1: {  	[hbm4b:s31+s3] =	stream.linear.scatter [tilespmem:s29], [sflag:$0x2], $0x80, $0x38;
	[tilespmem:$0x18200] =	vst v63  }
0xc2: {  	s29 =	sadd.s32 $0x14130, s26;
	s31 =	sadd.s32 $0x60, s1  }
0xc3: {  	[hbm4b:s31+s3] =	stream.linear.scatter [tilespmem:s29], [sflag:$0x2], $0x80, $0x38;
	[tilespmem:$0x18200] =	vst v63  }
0xc4: {  	s1 =	sadd.s32 $0x70, s1;
	s31 =	sadd.s32 $0x141B8, s26  }
0xc5: {  	[hbm4b:s1+s3] =	stream.linear.scatter [tilespmem:s31], [sflag:$0x2], $0x80, $0x38;
	[tilespmem:$0x18200] =	vst v63  }
0xc6: {  	s30 =	sadd.s32 $0x14240, s26;
	s1 =	sadd.s32 s28, s8  }
0xc7: {  	[hbm4b:s1+s3] =	stream.linear.scatter [tilespmem:s30], [sflag:$0x2], $0x80, $0x38;
	[tilespmem:$0x18200] =	vst v63  }
0xc8: {  	s29 =	sadd.s32 $0x142C8, s26;
	s31 =	sadd.s32 $0x10, s1  }
0xc9: {  	[hbm4b:s31+s3] =	stream.linear.scatter [tilespmem:s29], [sflag:$0x2], $0x80, $0x38;
	[tilespmem:$0x18200] =	vst v63  }
0xca: {  	s29 =	sadd.s32 $0x14350, s26;
	s31 =	sadd.s32 $0x20, s1  }
0xcb: {  	[hbm4b:s31+s3] =	stream.linear.scatter [tilespmem:s29], [sflag:$0x2], $0x80, $0x38;
	[tilespmem:$0x18200] =	vst v63  }
0xcc: {  	s29 =	sadd.s32 $0x143D8, s26;
	s31 =	sadd.s32 $0x30, s1  }
0xcd: {  	[hbm4b:s31+s3] =	stream.linear.scatter [tilespmem:s29], [sflag:$0x2], $0x80, $0x38;
	[tilespmem:$0x18200] =	vst v63  }
0xce: {  	s29 =	sadd.s32 $0x14460, s26;
	s31 =	sadd.s32 $0x40, s1  }
0xcf: {  	[hbm4b:s31+s3] =	stream.linear.scatter [tilespmem:s29], [sflag:$0x2], $0x80, $0x38;
	[tilespmem:$0x18200] =	vst v63  }
0xd0: {  	s29 =	sadd.s32 $0x144E8, s26;
	s31 =	sadd.s32 $0x50, s1  }
0xd1: {  	[hbm4b:s31+s3] =	stream.linear.scatter [tilespmem:s29], [sflag:$0x2], $0x80, $0x38;
	[tilespmem:$0x18200] =	vst v63  }
0xd2: {  	s29 =	sadd.s32 $0x14570, s26;
	s31 =	sadd.s32 $0x60, s1  }
0xd3: {  	[hbm4b:s31+s3] =	stream.linear.scatter [tilespmem:s29], [sflag:$0x2], $0x80, $0x38;
	[tilespmem:$0x18200] =	vst v63  }
0xd4: {  	s1 =	sadd.s32 $0x70, s1;
	s31 =	sadd.s32 $0x145F8, s26  }
0xd5: {  	[hbm4b:s1+s3] =	stream.linear.scatter [tilespmem:s31], [sflag:$0x2], $0x80, $0x38;
	[tilespmem:$0x18200] =	vst v63  }
0xd6: {  	s30 =	sadd.s32 $0x14680, s26;
	s1 =	sadd.s32 s28, s9  }
0xd7: {  	[hbm4b:s1+s3] =	stream.linear.scatter [tilespmem:s30], [sflag:$0x2], $0x80, $0x38;
	[tilespmem:$0x18200] =	vst v63  }
0xd8: {  	s29 =	sadd.s32 $0x14708, s26;
	s31 =	sadd.s32 $0x10, s1  }
0xd9: {  	[hbm4b:s31+s3] =	stream.linear.scatter [tilespmem:s29], [sflag:$0x2], $0x80, $0x38;
	[tilespmem:$0x18200] =	vst v63  }
0xda: {  	s29 =	sadd.s32 $0x14790, s26;
	s31 =	sadd.s32 $0x20, s1  }
0xdb: {  	[hbm4b:s31+s3] =	stream.linear.scatter [tilespmem:s29], [sflag:$0x2], $0x80, $0x38;
	[tilespmem:$0x18200] =	vst v63  }
0xdc: {  	s29 =	sadd.s32 $0x14818, s26;
	s31 =	sadd.s32 $0x30, s1  }
0xdd: {  	[hbm4b:s31+s3] =	stream.linear.scatter [tilespmem:s29], [sflag:$0x2], $0x80, $0x38;
	[tilespmem:$0x18200] =	vst v63  }
0xde: {  	s29 =	sadd.s32 $0x148A0, s26;
	s31 =	sadd.s32 $0x40, s1  }
0xdf: {  	[hbm4b:s31+s3] =	stream.linear.scatter [tilespmem:s29], [sflag:$0x2], $0x80, $0x38;
	[tilespmem:$0x18200] =	vst v63  }
0xe0: {  	s29 =	sadd.s32 $0x14928, s26;
	s31 =	sadd.s32 $0x50, s1  }
0xe1: {  	[hbm4b:s31+s3] =	stream.linear.scatter [tilespmem:s29], [sflag:$0x2], $0x80, $0x38;
	[tilespmem:$0x18200] =	vst v63  }
0xe2: {  	s29 =	sadd.s32 $0x149B0, s26;
	s31 =	sadd.s32 $0x60, s1  }
0xe3: {  	[hbm4b:s31+s3] =	stream.linear.scatter [tilespmem:s29], [sflag:$0x2], $0x80, $0x38;
	[tilespmem:$0x18200] =	vst v63  }
0xe4: {  	s1 =	sadd.s32 $0x70, s1;
	s31 =	sadd.s32 $0x14A38, s26  }
0xe5: {  	[hbm4b:s1+s3] =	stream.linear.scatter [tilespmem:s31], [sflag:$0x2], $0x80, $0x38;
	[tilespmem:$0x18200] =	vst v63  }
0xe6: {  	s30 =	sadd.s32 $0x14AC0, s26;
	s1 =	sadd.s32 s28, s10  }
0xe7: {  	[hbm4b:s1+s3] =	stream.linear.scatter [tilespmem:s30], [sflag:$0x2], $0x80, $0x38;
	[tilespmem:$0x18200] =	vst v63  }
0xe8: {  	s29 =	sadd.s32 $0x14B48, s26;
	s31 =	sadd.s32 $0x10, s1  }
0xe9: {  	[hbm4b:s31+s3] =	stream.linear.scatter [tilespmem:s29], [sflag:$0x2], $0x80, $0x38;
	[tilespmem:$0x18200] =	vst v63  }
0xea: {  	s29 =	sadd.s32 $0x14BD0, s26;
	s31 =	sadd.s32 $0x20, s1  }
0xeb: {  	[hbm4b:s31+s3] =	stream.linear.scatter [tilespmem:s29], [sflag:$0x2], $0x80, $0x38;
	[tilespmem:$0x18200] =	vst v63  }
0xec: {  	s29 =	sadd.s32 $0x14C58, s26;
	s31 =	sadd.s32 $0x30, s1  }
0xed: {  	[hbm4b:s31+s3] =	stream.linear.scatter [tilespmem:s29], [sflag:$0x2], $0x80, $0x38;
	[tilespmem:$0x18200] =	vst v63  }
0xee: {  	s29 =	sadd.s32 $0x14CE0, s26;
	s31 =	sadd.s32 $0x40, s1  }
0xef: {  	[hbm4b:s31+s3] =	stream.linear.scatter [tilespmem:s29], [sflag:$0x2], $0x80, $0x38;
	[tilespmem:$0x18200] =	vst v63  }
0xf0: {  	s29 =	sadd.s32 $0x14D68, s26;
	s31 =	sadd.s32 $0x50, s1  }
0xf1: {  	[hbm4b:s31+s3] =	stream.linear.scatter [tilespmem:s29], [sflag:$0x2], $0x80, $0x38;
	[tilespmem:$0x18200] =	vst v63  }
0xf2: {  	s29 =	sadd.s32 $0x14DF0, s26;
	s31 =	sadd.s32 $0x60, s1  }
0xf3: {  	[hbm4b:s31+s3] =	stream.linear.scatter [tilespmem:s29], [sflag:$0x2], $0x80, $0x38;
	[tilespmem:$0x18200] =	vst v63  }
0xf4: {  	s1 =	sadd.s32 $0x70, s1;
	s31 =	sadd.s32 $0x14E78, s26  }
0xf5: {  	[hbm4b:s1+s3] =	stream.linear.scatter [tilespmem:s31], [sflag:$0x2], $0x80, $0x38;
	[tilespmem:$0x18200] =	vst v63  }
0xf6: {  	s30 =	sadd.s32 $0x14F00, s26;
	s1 =	sadd.s32 s28, s11  }
0xf7: {  	[hbm4b:s1+s3] =	stream.linear.scatter [tilespmem:s30], [sflag:$0x2], $0x80, $0x38;
	[tilespmem:$0x18200] =	vst v63  }
0xf8: {  	s29 =	sadd.s32 $0x14F88, s26;
	s31 =	sadd.s32 $0x10, s1  }
0xf9: {  	[hbm4b:s31+s3] =	stream.linear.scatter [tilespmem:s29], [sflag:$0x2], $0x80, $0x38;
	[tilespmem:$0x18200] =	vst v63  }
0xfa: {  	s29 =	sadd.s32 $0x15010, s26;
	s31 =	sadd.s32 $0x20, s1  }
0xfb: {  	[hbm4b:s31+s3] =	stream.linear.scatter [tilespmem:s29], [sflag:$0x2], $0x80, $0x38;
	[tilespmem:$0x18200] =	vst v63  }
0xfc: {  	s29 =	sadd.s32 $0x15098, s26;
	s31 =	sadd.s32 $0x30, s1  }
0xfd: {  	[hbm4b:s31+s3] =	stream.linear.scatter [tilespmem:s29], [sflag:$0x2], $0x80, $0x38;
	[tilespmem:$0x18200] =	vst v63  }
0xfe: {  	s29 =	sadd.s32 $0x15120, s26;
	s31 =	sadd.s32 $0x40, s1  }
0xff: {  	[hbm4b:s31+s3] =	stream.linear.scatter [tilespmem:s29], [sflag:$0x2], $0x80, $0x38;
	[tilespmem:$0x18200] =	vst v63  }
0x100: {  	s29 =	sadd.s32 $0x151A8, s26;
	s31 =	sadd.s32 $0x50, s1  }
0x101: {  	[hbm4b:s31+s3] =	stream.linear.scatter [tilespmem:s29], [sflag:$0x2], $0x80, $0x38;
	[tilespmem:$0x18200] =	vst v63  }
0x102: {  	s29 =	sadd.s32 $0x15230, s26;
	s31 =	sadd.s32 $0x60, s1  }
0x103: {  	[hbm4b:s31+s3] =	stream.linear.scatter [tilespmem:s29], [sflag:$0x2], $0x80, $0x38;
	[tilespmem:$0x18200] =	vst v63  }
0x104: {  	s1 =	sadd.s32 $0x70, s1;
	s31 =	sadd.s32 $0x152B8, s26  }
0x105: {  	[hbm4b:s1+s3] =	stream.linear.scatter [tilespmem:s31], [sflag:$0x2], $0x80, $0x38;
	[tilespmem:$0x18200] =	vst v63  }
0x106: {  	s30 =	sadd.s32 $0x15340, s26;
	s1 =	sadd.s32 s28, s12  }
0x107: {  	[hbm4b:s1+s3] =	stream.linear.scatter [tilespmem:s30], [sflag:$0x2], $0x80, $0x38;
	[tilespmem:$0x18200] =	vst v63  }
0x108: {  	s29 =	sadd.s32 $0x153C8, s26;
	s31 =	sadd.s32 $0x10, s1  }
0x109: {  	[hbm4b:s31+s3] =	stream.linear.scatter [tilespmem:s29], [sflag:$0x2], $0x80, $0x38;
	[tilespmem:$0x18200] =	vst v63  }
0x10a: {  	s29 =	sadd.s32 $0x15450, s26;
	s31 =	sadd.s32 $0x20, s1  }
0x10b: {  	[hbm4b:s31+s3] =	stream.linear.scatter [tilespmem:s29], [sflag:$0x2], $0x80, $0x38;
	[tilespmem:$0x18200] =	vst v63  }
0x10c: {  	s29 =	sadd.s32 $0x154D8, s26;
	s31 =	sadd.s32 $0x30, s1  }
0x10d: {  	[hbm4b:s31+s3] =	stream.linear.scatter [tilespmem:s29], [sflag:$0x2], $0x80, $0x38;
	[tilespmem:$0x18200] =	vst v63  }
0x10e: {  	s29 =	sadd.s32 $0x15560, s26;
	s31 =	sadd.s32 $0x40, s1  }
0x10f: {  	[hbm4b:s31+s3] =	stream.linear.scatter [tilespmem:s29], [sflag:$0x2], $0x80, $0x38;
	[tilespmem:$0x18200] =	vst v63  }
0x110: {  	s29 =	sadd.s32 $0x155E8, s26;
	s31 =	sadd.s32 $0x50, s1  }
0x111: {  	[hbm4b:s31+s3] =	stream.linear.scatter [tilespmem:s29], [sflag:$0x2], $0x80, $0x38;
	[tilespmem:$0x18200] =	vst v63  }
0x112: {  	s29 =	sadd.s32 $0x15670, s26;
	s31 =	sadd.s32 $0x60, s1  }
0x113: {  	[hbm4b:s31+s3] =	stream.linear.scatter [tilespmem:s29], [sflag:$0x2], $0x80, $0x38;
	[tilespmem:$0x18200] =	vst v63  }
0x114: {  	s1 =	sadd.s32 $0x70, s1;
	s31 =	sadd.s32 $0x156F8, s26  }
0x115: {  	[hbm4b:s1+s3] =	stream.linear.scatter [tilespmem:s31], [sflag:$0x2], $0x80, $0x38;
	[tilespmem:$0x18200] =	vst v63  }
0x116: {  	s30 =	sadd.s32 $0x15780, s26;
	s1 =	sadd.s32 s28, s13  }
0x117: {  	[hbm4b:s1+s3] =	stream.linear.scatter [tilespmem:s30], [sflag:$0x2], $0x80, $0x38;
	[tilespmem:$0x18200] =	vst v63  }
0x118: {  	s29 =	sadd.s32 $0x15808, s26;
	s31 =	sadd.s32 $0x10, s1  }
0x119: {  	[hbm4b:s31+s3] =	stream.linear.scatter [tilespmem:s29], [sflag:$0x2], $0x80, $0x38;
	[tilespmem:$0x18200] =	vst v63  }
0x11a: {  	s29 =	sadd.s32 $0x15890, s26;
	s31 =	sadd.s32 $0x20, s1  }
0x11b: {  	[hbm4b:s31+s3] =	stream.linear.scatter [tilespmem:s29], [sflag:$0x2], $0x80, $0x38;
	[tilespmem:$0x18200] =	vst v63  }
0x11c: {  	s29 =	sadd.s32 $0x15918, s26;
	s31 =	sadd.s32 $0x30, s1  }
0x11d: {  	[hbm4b:s31+s3] =	stream.linear.scatter [tilespmem:s29], [sflag:$0x2], $0x80, $0x38;
	[tilespmem:$0x18200] =	vst v63  }
0x11e: {  	s29 =	sadd.s32 $0x159A0, s26;
	s31 =	sadd.s32 $0x40, s1  }
0x11f: {  	[hbm4b:s31+s3] =	stream.linear.scatter [tilespmem:s29], [sflag:$0x2], $0x80, $0x38;
	[tilespmem:$0x18200] =	vst v63  }
0x120: {  	s29 =	sadd.s32 $0x15A28, s26;
	s31 =	sadd.s32 $0x50, s1  }
0x121: {  	[hbm4b:s31+s3] =	stream.linear.scatter [tilespmem:s29], [sflag:$0x2], $0x80, $0x38;
	[tilespmem:$0x18200] =	vst v63  }
0x122: {  	s29 =	sadd.s32 $0x15AB0, s26;
	s31 =	sadd.s32 $0x60, s1  }
0x123: {  	[hbm4b:s31+s3] =	stream.linear.scatter [tilespmem:s29], [sflag:$0x2], $0x80, $0x38;
	[tilespmem:$0x18200] =	vst v63  }
0x124: {  	s30 =	sadd.s32 $0x15B38, s26;
	s1 =	sadd.s32 $0x70, s1  }
0x125: {  	[hbm4b:s1+s3] =	stream.linear.scatter [tilespmem:s30], [sflag:$0x2], $0x80, $0x38;
	[tilespmem:$0x18200] =	vst v63  }
0x126: {  	s1 =	sadd.s32 s28, s14;
	s28 =	sadd.s32 $0x15BC0, s26  }
0x127: {  	[hbm4b:s1+s3] =	stream.linear.scatter [tilespmem:s28], [sflag:$0x2], $0x80, $0x38;
	[tilespmem:$0x18200] =	vst v63  }
0x128: {  	s31 =	sadd.s32 $0x10, s1;
	s28 =	sadd.s32 $0x15C48, s26  }
0x129: {  	[hbm4b:s31+s3] =	stream.linear.scatter [tilespmem:s28], [sflag:$0x2], $0x80, $0x38;
	[tilespmem:$0x18200] =	vst v63  }
0x12a: {  	s30 =	sadd.s32 $0x20, s1;
	s28 =	sadd.s32 $0x15CD0, s26  }
0x12b: {  	[hbm4b:s30+s3] =	stream.linear.scatter [tilespmem:s28], [sflag:$0x2], $0x80, $0x38;
	[tilespmem:$0x18200] =	vst v63  }
0x12c: {  	s31 =	sadd.s32 $0x30, s1;
	s28 =	sadd.s32 $0x15D58, s26  }
0x12d: {  	[hbm4b:s31+s3] =	stream.linear.scatter [tilespmem:s28], [sflag:$0x2], $0x80, $0x38;
	[tilespmem:$0x18200] =	vst v63  }
0x12e: {  	s30 =	sadd.s32 $0x40, s1;
	s28 =	sadd.s32 $0x15DE0, s26  }
0x12f: {  	[hbm4b:s30+s3] =	stream.linear.scatter [tilespmem:s28], [sflag:$0x2], $0x80, $0x38;
	[tilespmem:$0x18200] =	vst v63  }
0x130: {  	p1 =	sne.s32 s25, $0xC8;
	s31 =	sadd.s32 $0x50, s1;
	s28 =	sadd.s32 $0x15E68, s26  }
0x131: {  	[hbm4b:s31+s3] =	stream.linear.scatter [tilespmem:s28], [sflag:$0x2], $0x80, $0x38;
	[tilespmem:$0x18200] =	vst v63  }
.Ltmp3:
0x132: {  	_ = 	snop;
	(pc) =	sbr.rel @p1 .LBB2_6-.Ltmp3, $4  }
0x133: {  	p0 =	por !p0, !p0;
	s30 =	sadd.s32 $0x60, s1;
	s28 =	sadd.s32 $0x15EF0, s26  }
0x134: {  	[hbm4b:s30+s3] =	stream.linear.scatter [tilespmem:s28], [sflag:$0x2], $0x80, $0x38;
	[tilespmem:$0x18200] =	vst v63  }
0x135: {  	s1 =	sadd.s32 $0x70, s1;
	s31 =	sadd.s32 $0x15F78, s26;
	s28 =	smov.u32 s25  }
0x136: {  	[hbm4b:s1+s3] =	stream.linear.scatter [tilespmem:s31], [sflag:$0x2], $0x80, $0x38;
	[tilespmem:$0x18200] =	vst v63  }
0x137: {  	_ =	swait.ge [sflag:s22], $0x400  }
0x138: {  	[sflag:s22] =	ssyncset.done $0x0  }
0x139: {  	[sflag:s22] =	ssyncadd.s32 $0xFFFFFC00  }
0x13a: {  	_ =	swait.ge [sflag:s22], $0x400  }
0x13b: {  	[sflag:s22] =	ssyncset.done $0x0  }
0x13c: {  	[sflag:s22] =	ssyncadd.s32 $0xFFFFFC00  }
0x13d: {  	_ =	swait.ge [sflag:s22], $0x400  }
0x13e: {  	[sflag:s22] =	ssyncset.done $0x0  }
0x13f: {  	[sflag:s22] =	ssyncadd.s32 $0xFFFFFC00  }
0x140: {  	_ =	swait.ge [sflag:s22], $0x400  }
0x141: {  	[sflag:s22] =	ssyncset.done $0x0  }
0x142: {  	[sflag:s22] =	ssyncadd.s32 $0xFFFFFC00  }
0x143: {  	_ =	swait.ge [sflag:s22], $0x400  }
0x144: {  	[sflag:s22] =	ssyncset.done $0x0  }
0x145: {  	[sflag:s22] =	ssyncadd.s32 $0xFFFFFC00  }
0x146: {  	_ =	swait.ge [sflag:s22], $0x400  }
0x147: {  	[sflag:s22] =	ssyncset.done $0x0  }
0x148: {  	[sflag:s22] =	ssyncadd.s32 $0xFFFFFC00  }
0x149: {  	_ =	swait.ge [sflag:s22], $0x400  }
0x14a: {  	[sflag:s22] =	ssyncset.done $0x0  }
0x14b: {  	[sflag:s22] =	ssyncadd.s32 $0xFFFFFC00  }
0x14c: {  	_ =	swait.ge [sflag:s22], $0x400  }
0x14d: {  	[sflag:s22] =	ssyncset.done $0x0  }
0x14e: {  	[sflag:s22] =	ssyncadd.s32 $0xFFFFFC00  }
0x14f: {  	_ =	swait.ge [sflag:s22], $0x400  }
0x150: {  	[sflag:s22] =	ssyncset.done $0x0  }
0x151: {  	[sflag:s22] =	ssyncadd.s32 $0xFFFFFC00  }
0x152: {  	_ =	swait.ge [sflag:s22], $0x400  }
0x153: {  	[sflag:s22] =	ssyncset.done $0x0  }
0x154: {  	[sflag:s22] =	ssyncadd.s32 $0xFFFFFC00  }
0x155: {  	_ =	swait.ge [sflag:s22], $0x400  }
0x156: {  	[sflag:s22] =	ssyncset.done $0x0  }
0x157: {  	[sflag:s22] =	ssyncadd.s32 $0xFFFFFC00  }
0x158: {  	_ =	swait.ge [sflag:s22], $0x400  }
0x159: {  	[sflag:s22] =	ssyncset.done $0x0  }
0x15a: {  	[sflag:s22] =	ssyncadd.s32 $0xFFFFFC00  }
0x15b: {  	_ =	swait.ge [sflag:s22], $0x400  }
0x15c: {  	[sflag:s22] =	ssyncset.done $0x0  }
0x15d: {  	[sflag:s22] =	ssyncadd.s32 $0xFFFFFC00  }
0x15e: {  	_ =	swait.ge [sflag:s22], $0x400  }
0x15f: {  	[sflag:s22] =	ssyncset.done $0x0  }
0x160: {  	s23 =	sadd.s32 $0x1, s23;
	[sflag:s22] =	ssyncadd.s32 $0xFFFFFC00  }
0x161: {  	p0 =	sne.s32 s23, s15;
	_ =	swait.ge [sflag:s22], $0x400  }
.Ltmp4:
0x162: {  	[sflag:s22] =	ssyncset.done $0x0;
	(pc) =	sbr.rel @p0 .LBB2_1-.Ltmp4, $4  }
0x163: {  	[sflag:s22] =	ssyncadd.s32 $0xFFFFFC00  }
0x164: {  	_ =	swait.ge [sflag:s22], $0x400  }
0x165: {  	[sflag:s22] =	ssyncset.done $0x0  }
0x166: {  	[sflag:s22] =	ssyncadd.s32 $0xFFFFFC00  }
0x167: {  	_ =	sfence.sel $0x180000  }
0x168: {  	[bflag:$0x0] =	sbarrier.arrive $0xFFFF  }
0x169: {  	_ =	strace $0x9000004A  }
0x16a: {  	[bflag:$0x2] =	sbarrier.arrive $0xFFFF  }
0x16b: {  	p0 =	sne.s32 s0, $0x0;
	s0 =	rddreg [dreg:$0x2]  }
0x16c: {  	s0 =	sadd.s32 @!p0 $0x100000, s0  }
0x16d: {  	[sflag:s0] =	ssyncadd.tile.s32 @!p0 $0x1;
	_ =	shalt  }
.Lfunc_end2:
_tile_overlayer_lowered:
.L_overlay_start_2:
0x16e: {  	(tag) =	ssettag $0x2  }
0x16f: {  	s0 =	rddreg [dreg:$0x0];
	s2 =	stileid.u32  }
0x170: {  	s1 =	rddreg [dreg:$0x1];
	p0 =	sne.s32 s2, $0x0  }
0x171: {  	s3 =	rddreg [dreg:$0x2];
	[bflag:$0x3] =	sbarrier.arrive $0xFFFF;
	s2 =	simm.s32 @!p0 $0x1C03  }
0x172: {  	[timem:s3], [sflag:s2] =	dma.local @!p0 [hbm:s0], s1  }
0x173: {  	s0 =	simm.s32 @!p0 $0x3  }
0x174: {  	_ =	swait.ge @!p0 [sflag:s0], s1  }
0x175: {  	s1 =	ssub.s32 @!p0 $0x0, s1;
	[sflag:s0] =	ssyncset.done @!p0 $0x0  }
0x176: {  	[sflag:s0] =	ssyncadd.s32 @!p0 s1  }
0x177: {  	[bflag:$0x3] =	sbarrier.arrive $0xFFFF  }
0x178: {  	_ =	shalt  }

</sc_bundles>
